<compile_context>
chip_gen: v7x
topology: tpu7x:2x2x1
jax: 0.10.2.dev20260603
libtpu: 0.0.44.dev20260713+nightly
codegen_flags: <defaults>
</compile_context>

<pallas_src>
import functools

import jax
import jax.numpy as jnp
from jax import lax
from jax.experimental import pallas as pl
from jax.experimental.pallas import tpu as pltpu
from jax.experimental.pallas import tpu_sc as plsc

EMBEDDING_DIM = 256
NUM_EMBEDDINGS = 8192
COMMITMENT_COST = 0.25

N_TOTAL = 16384

SC_WORKERS = 32
ROWS_PER_WORKER = N_TOTAL // SC_WORKERS
SC_CHUNK = 128
SC_STEPS = ROWS_PER_WORKER // SC_CHUNK


@functools.lru_cache(maxsize=1)
def _make_sc_gather():
    mesh = plsc.VectorSubcoreMesh(core_axis_name="c", subcore_axis_name="s")

    @functools.partial(
        pl.kernel,
        mesh=mesh,
        out_type=jax.ShapeDtypeStruct((N_TOTAL, EMBEDDING_DIM), jnp.float32),
        scratch_types=[
            pltpu.VMEM((SC_CHUNK,), jnp.int32),
            pltpu.VMEM((SC_CHUNK,), jnp.int32),
            pltpu.VMEM((SC_CHUNK, EMBEDDING_DIM), jnp.float32),
            pltpu.VMEM((SC_CHUNK, EMBEDDING_DIM), jnp.float32),
            pltpu.SemaphoreType.DMA,
            pltpu.SemaphoreType.DMA,
        ],
    )
    def gather_rows(table_hbm, idx_hbm, out_hbm,
                    idx_v0, idx_v1, rows_v0, rows_v1, sem0, sem1):
        wid = lax.axis_index("s") * 2 + lax.axis_index("c")
        idx_bufs = (idx_v0, idx_v1)
        row_bufs = (rows_v0, rows_v1)
        sems = (sem0, sem1)

        def base(c):
            return wid * ROWS_PER_WORKER + c * SC_CHUNK

        pltpu.sync_copy(idx_hbm.at[pl.ds(base(0), SC_CHUNK)], idx_bufs[0])
        g_prev = pltpu.async_copy(table_hbm.at[idx_bufs[0]], row_bufs[0], sems[0])
        for c in range(1, SC_STEPS):
            b = c % 2
            pltpu.sync_copy(idx_hbm.at[pl.ds(base(c), SC_CHUNK)], idx_bufs[b])
            g_cur = pltpu.async_copy(table_hbm.at[idx_bufs[b]], row_bufs[b], sems[b])
            g_prev.wait()
            pltpu.sync_copy(row_bufs[1 - b], out_hbm.at[pl.ds(base(c - 1), SC_CHUNK)])
            g_prev = g_cur
        g_prev.wait()
        last = (SC_STEPS - 1) % 2
        pltpu.sync_copy(row_bufs[last],
                        out_hbm.at[pl.ds(base(SC_STEPS - 1), SC_CHUNK)])

    return gather_rows


def kernel(z, embeddings):
    flat_inputs = z.reshape(-1, z.shape[-1])
    distances = (
        jnp.sum(flat_inputs ** 2, axis=1, keepdims=True)
        - 2.0 * flat_inputs @ embeddings
        + jnp.sum(embeddings ** 2, axis=0, keepdims=True)
    )
    encoding_indices = jnp.argmin(distances, axis=1)
    quantized = _make_sc_gather()(
        embeddings.T, encoding_indices.astype(jnp.int32)).reshape(z.shape)
    e_latent_loss = jnp.mean((jax.lax.stop_gradient(quantized) - z) ** 2)
    loss = COMMITMENT_COST * e_latent_loss
    quantized_st = z + jax.lax.stop_gradient(quantized - z)
    n = flat_inputs.shape[0]
    counts = jnp.bincount(encoding_indices, length=embeddings.shape[1])
    avg_probs = counts.astype(jnp.float32) / n
    perplexity = jnp.exp(-jnp.sum(avg_probs * jnp.log(avg_probs + 1e-10)))
    encoding_indices_out = encoding_indices.reshape(z.shape[:-1])
    return quantized_st, loss, perplexity, encoding_indices_out

# --- scband reference (transcript-rebuilt; emitter-appended) ---
"""Pipeline reference for scband-vector-quantizer-emakeras-26800595927612 (READ-ONLY COPY).

The authoritative reference and input builder live on the scoring server;
editing this copy changes nothing except your own understanding.
"""

import jax, jax.numpy as jnp
import numpy as np

EMBEDDING_DIM = 256
NUM_EMBEDDINGS = 8192
COMMITMENT_COST = 0.25


def setup_inputs(seed: int = 0) -> dict:
    key = jax.random.key(seed)
    k1, k2 = jax.random.split(key)
    z = jax.random.normal(k1, (16, 32, 32, EMBEDDING_DIM), dtype=jnp.float32)
    # Codebook stored as [embedding_dim, num_embeddings] (sonnet/VQ-VAE convention).
    embeddings = jax.random.normal(k2, (EMBEDDING_DIM, NUM_EMBEDDINGS), dtype=jnp.float32) * 0.1
    return {"z": z, "embeddings": embeddings}


def reference(z, embeddings):
    # Flatten all leading dims; quantize each D-dim vector independently.
    flat_inputs = z.reshape(-1, z.shape[-1])  # [N, D]
    # Squared L2 distances to every codebook entry: ||x||^2 - 2 x.e + ||e||^2
    distances = (
        jnp.sum(flat_inputs ** 2, axis=1, keepdims=True)
        - 2.0 * flat_inputs @ embeddings
        + jnp.sum(embeddings ** 2, axis=0, keepdims=True)
    )  # [N, K]
    encoding_indices = jnp.argmin(distances, axis=1)  # [N]
    # quantize: embedding lookup (gather) from the codebook
    quantized = jnp.take(embeddings.T, encoding_indices, axis=0).reshape(z.shape)
    # Commitment loss (EMA variant: codebook updated via EMA, only commitment term here)
    e_latent_loss = jnp.mean((jax.lax.stop_gradient(quantized) - z) ** 2)
    loss = COMMITMENT_COST * e_latent_loss
    # Straight-through estimator
    quantized_st = z + jax.lax.stop_gradient(quantized - z)
    # Perplexity of codebook usage
    n = flat_inputs.shape[0]
    counts = jnp.bincount(encoding_indices, length=embeddings.shape[1])
    avg_probs = counts.astype(jnp.float32) / n
    perplexity = jnp.exp(-jnp.sum(avg_probs * jnp.log(avg_probs + 1e-10)))
    encoding_indices_out = encoding_indices.reshape(z.shape[:-1])
    return quantized_st, loss, perplexity, encoding_indices_out

if __name__ == "__main__":
    import jax
    _d = setup_inputs()
    print(jax.jit(kernel)(*tuple(_d.values())))

</pallas_src>

<mosaic_0001>
#map = affine_map<(d0, d1) -> (0, 0)>
#map1 = affine_map<(d0, d1) -> (0)>
module attributes {stable_mosaic.version = 14 : i64} {
  func.func @gather_rows(%arg0: i32, %arg1: i32, %arg2: memref<8192x256xf32, #tpu.memory_space<hbm>>, %arg3: memref<16384xi32, #tpu.memory_space<hbm>>, %arg4: memref<16384x256xf32, #tpu.memory_space<hbm>>, %arg5: memref<128xi32, #tpu.memory_space<vmem>>, %arg6: memref<128xi32, #tpu.memory_space<vmem>>, %arg7: memref<128x256xf32, #tpu.memory_space<vmem>>, %arg8: memref<128x256xf32, #tpu.memory_space<vmem>>, %arg9: memref<!tpu.dma_semaphore, #tpu.memory_space<semaphore_mem>>, %arg10: memref<!tpu.dma_semaphore, #tpu.memory_space<semaphore_mem>>) attributes {dimension_semantics = [#tpu.dimension_semantics<core_parallel>, #tpu.dimension_semantics<subcore_parallel>], iteration_bounds = array<i64: 2, 16>, scalar_prefetch = 0 : i64, scratch_operands = 6 : i64, tpu.core_type = #tpu.core_type<sc_vector_subcore>, window_params = [{transform_indices = #map}, {transform_indices = #map1}, {transform_indices = #map}]} {
    %mul3A = arith.constant 2 : i32
    %mul3A_0 = arith.muli %arg1, %mul3A : i32
    %add3A = arith.addi %mul3A_0, %arg0 : i32
    %mul3A_1 = arith.constant 512 : i32
    %mul3A_2 = arith.muli %add3A, %mul3A_1 : i32
    %add3A_3 = arith.constant 0 : i32
    %add3A_4 = arith.addi %mul3A_2, %add3A_3 : i32
    "tpu.region"() ({
      %run_scoped3A = tpu.sem_alloc : memref<!tpu.dma_semaphore, #tpu.memory_space<semaphore_mem>>
      %dma_start3A_55 = tpu.memref_slice %arg3[%add3A_4] : memref<16384xi32, #tpu.memory_space<hbm>> -> memref<128xi32, #tpu.memory_space<hbm>>
      %dma_start3A_56 = tpu.memref_slice %arg3[%add3A_4] : memref<16384xi32, #tpu.memory_space<hbm>> -> memref<128xi32, #tpu.memory_space<hbm>>
      tpu.enqueue_dma source(%dma_start3A_56 : memref<128xi32, #tpu.memory_space<hbm>>) target(%arg5 : memref<128xi32, #tpu.memory_space<vmem>>) target_semaphore(%run_scoped3A : memref<!tpu.dma_semaphore, #tpu.memory_space<semaphore_mem>>)
      %dma_wait3A_57 = tpu.memref_slice %arg3[%add3A_4] : memref<16384xi32, #tpu.memory_space<hbm>> -> memref<128xi32, #tpu.memory_space<hbm>>
      %dma_wait3A_58 = tpu.memref_slice %arg3[%add3A_4] : memref<16384xi32, #tpu.memory_space<hbm>> -> memref<128xi32, #tpu.memory_space<hbm>>
      tpu.wait_dma2 semaphore(%run_scoped3A : memref<!tpu.dma_semaphore, #tpu.memory_space<semaphore_mem>>) src(%dma_wait3A_58 : memref<128xi32, #tpu.memory_space<hbm>>) dst(%arg5 : memref<128xi32, #tpu.memory_space<vmem>>)
      tpu.yield
    }) : () -> ()
    %dma_start3A = arith.constant 0 : i32
    %dma_start3A_5 = arith.constant 0 : i32
    %dma_start3A_6 = tpu.memref_slice %arg2[%dma_start3A, %dma_start3A_5] : memref<8192x256xf32, #tpu.memory_space<hbm>> -> memref<8192x256xf32, #tpu.memory_space<hbm>>
    tpu.enqueue_indirect_dma source(%dma_start3A_6 : memref<8192x256xf32, #tpu.memory_space<hbm>>) target(%arg7 : memref<128x256xf32, #tpu.memory_space<vmem>>) offsets(%arg5 : memref<128xi32, #tpu.memory_space<vmem>>) semaphore(%arg9 : memref<!tpu.dma_semaphore, #tpu.memory_space<semaphore_mem>>)
    %mul3A_7 = arith.constant 512 : i32
    %mul3A_8 = arith.muli %add3A, %mul3A_7 : i32
    %add3A_9 = arith.constant 128 : i32
    %add3A_10 = arith.addi %mul3A_8, %add3A_9 : i32
    "tpu.region"() ({
      %run_scoped3A = tpu.sem_alloc : memref<!tpu.dma_semaphore, #tpu.memory_space<semaphore_mem>>
      %dma_start3A_55 = tpu.memref_slice %arg3[%add3A_10] : memref<16384xi32, #tpu.memory_space<hbm>> -> memref<128xi32, #tpu.memory_space<hbm>>
      %dma_start3A_56 = tpu.memref_slice %arg3[%add3A_10] : memref<16384xi32, #tpu.memory_space<hbm>> -> memref<128xi32, #tpu.memory_space<hbm>>
      tpu.enqueue_dma source(%dma_start3A_56 : memref<128xi32, #tpu.memory_space<hbm>>) target(%arg6 : memref<128xi32, #tpu.memory_space<vmem>>) target_semaphore(%run_scoped3A : memref<!tpu.dma_semaphore, #tpu.memory_space<semaphore_mem>>)
      %dma_wait3A_57 = tpu.memref_slice %arg3[%add3A_10] : memref<16384xi32, #tpu.memory_space<hbm>> -> memref<128xi32, #tpu.memory_space<hbm>>
      %dma_wait3A_58 = tpu.memref_slice %arg3[%add3A_10] : memref<16384xi32, #tpu.memory_space<hbm>> -> memref<128xi32, #tpu.memory_space<hbm>>
      tpu.wait_dma2 semaphore(%run_scoped3A : memref<!tpu.dma_semaphore, #tpu.memory_space<semaphore_mem>>) src(%dma_wait3A_58 : memref<128xi32, #tpu.memory_space<hbm>>) dst(%arg6 : memref<128xi32, #tpu.memory_space<vmem>>)
      tpu.yield
    }) : () -> ()
    %dma_start3A_11 = arith.constant 0 : i32
    %dma_start3A_12 = arith.constant 0 : i32
    %dma_start3A_13 = tpu.memref_slice %arg2[%dma_start3A_11, %dma_start3A_12] : memref<8192x256xf32, #tpu.memory_space<hbm>> -> memref<8192x256xf32, #tpu.memory_space<hbm>>
    tpu.enqueue_indirect_dma source(%dma_start3A_13 : memref<8192x256xf32, #tpu.memory_space<hbm>>) target(%arg8 : memref<128x256xf32, #tpu.memory_space<vmem>>) offsets(%arg6 : memref<128xi32, #tpu.memory_space<vmem>>) semaphore(%arg10 : memref<!tpu.dma_semaphore, #tpu.memory_space<semaphore_mem>>)
    %dma_wait3A = arith.constant 0 : i32
    %dma_wait3A_14 = arith.constant 0 : i32
    %dma_wait3A_15 = tpu.memref_slice %arg2[%dma_wait3A, %dma_wait3A_14] : memref<8192x256xf32, #tpu.memory_space<hbm>> -> memref<8192x256xf32, #tpu.memory_space<hbm>>
    tpu.wait_indirect_dma semaphore(%arg9 : memref<!tpu.dma_semaphore, #tpu.memory_space<semaphore_mem>>) src(%dma_wait3A_15 : memref<8192x256xf32, #tpu.memory_space<hbm>>) dst(%arg7 : memref<128x256xf32, #tpu.memory_space<vmem>>)
    %mul3A_16 = arith.constant 512 : i32
    %mul3A_17 = arith.muli %add3A, %mul3A_16 : i32
    %add3A_18 = arith.constant 0 : i32
    %add3A_19 = arith.addi %mul3A_17, %add3A_18 : i32
    "tpu.region"() ({
      %run_scoped3A = tpu.sem_alloc : memref<!tpu.dma_semaphore, #tpu.memory_space<semaphore_mem>>
      %dma_start3A_55 = arith.constant 0 : i32
      %dma_start3A_56 = tpu.memref_slice %arg4[%add3A_19, %dma_start3A_55] : memref<16384x256xf32, #tpu.memory_space<hbm>> -> memref<128x256xf32, #tpu.memory_space<hbm>>
      %dma_start3A_57 = arith.constant 0 : i32
      %dma_start3A_58 = tpu.memref_slice %arg4[%add3A_19, %dma_start3A_57] : memref<16384x256xf32, #tpu.memory_space<hbm>> -> memref<128x256xf32, #tpu.memory_space<hbm>>
      tpu.enqueue_dma source(%arg7 : memref<128x256xf32, #tpu.memory_space<vmem>>) target(%dma_start3A_58 : memref<128x256xf32, #tpu.memory_space<hbm>>) target_semaphore(%run_scoped3A : memref<!tpu.dma_semaphore, #tpu.memory_space<semaphore_mem>>)
      %dma_wait3A_59 = arith.constant 0 : i32
      %dma_wait3A_60 = tpu.memref_slice %arg4[%add3A_19, %dma_wait3A_59] : memref<16384x256xf32, #tpu.memory_space<hbm>> -> memref<128x256xf32, #tpu.memory_space<hbm>>
      %dma_wait3A_61 = arith.constant 0 : i32
      %dma_wait3A_62 = tpu.memref_slice %arg4[%add3A_19, %dma_wait3A_61] : memref<16384x256xf32, #tpu.memory_space<hbm>> -> memref<128x256xf32, #tpu.memory_space<hbm>>
      tpu.wait_dma2 semaphore(%run_scoped3A : memref<!tpu.dma_semaphore, #tpu.memory_space<semaphore_mem>>) src(%arg7 : memref<128x256xf32, #tpu.memory_space<vmem>>) dst(%dma_wait3A_62 : memref<128x256xf32, #tpu.memory_space<hbm>>)
      tpu.yield
    }) : () -> ()
    %mul3A_20 = arith.constant 512 : i32
    %mul3A_21 = arith.muli %add3A, %mul3A_20 : i32
    %add3A_22 = arith.constant 256 : i32
    %add3A_23 = arith.addi %mul3A_21, %add3A_22 : i32
    "tpu.region"() ({
      %run_scoped3A = tpu.sem_alloc : memref<!tpu.dma_semaphore, #tpu.memory_space<semaphore_mem>>
      %dma_start3A_55 = tpu.memref_slice %arg3[%add3A_23] : memref<16384xi32, #tpu.memory_space<hbm>> -> memref<128xi32, #tpu.memory_space<hbm>>
      %dma_start3A_56 = tpu.memref_slice %arg3[%add3A_23] : memref<16384xi32, #tpu.memory_space<hbm>> -> memref<128xi32, #tpu.memory_space<hbm>>
      tpu.enqueue_dma source(%dma_start3A_56 : memref<128xi32, #tpu.memory_space<hbm>>) target(%arg5 : memref<128xi32, #tpu.memory_space<vmem>>) target_semaphore(%run_scoped3A : memref<!tpu.dma_semaphore, #tpu.memory_space<semaphore_mem>>)
      %dma_wait3A_57 = tpu.memref_slice %arg3[%add3A_23] : memref<16384xi32, #tpu.memory_space<hbm>> -> memref<128xi32, #tpu.memory_space<hbm>>
      %dma_wait3A_58 = tpu.memref_slice %arg3[%add3A_23] : memref<16384xi32, #tpu.memory_space<hbm>> -> memref<128xi32, #tpu.memory_space<hbm>>
      tpu.wait_dma2 semaphore(%run_scoped3A : memref<!tpu.dma_semaphore, #tpu.memory_space<semaphore_mem>>) src(%dma_wait3A_58 : memref<128xi32, #tpu.memory_space<hbm>>) dst(%arg5 : memref<128xi32, #tpu.memory_space<vmem>>)
      tpu.yield
    }) : () -> ()
    %dma_start3A_24 = arith.constant 0 : i32
    %dma_start3A_25 = arith.constant 0 : i32
    %dma_start3A_26 = tpu.memref_slice %arg2[%dma_start3A_24, %dma_start3A_25] : memref<8192x256xf32, #tpu.memory_space<hbm>> -> memref<8192x256xf32, #tpu.memory_space<hbm>>
    tpu.enqueue_indirect_dma source(%dma_start3A_26 : memref<8192x256xf32, #tpu.memory_space<hbm>>) target(%arg7 : memref<128x256xf32, #tpu.memory_space<vmem>>) offsets(%arg5 : memref<128xi32, #tpu.memory_space<vmem>>) semaphore(%arg9 : memref<!tpu.dma_semaphore, #tpu.memory_space<semaphore_mem>>)
    %dma_wait3A_27 = arith.constant 0 : i32
    %dma_wait3A_28 = arith.constant 0 : i32
    %dma_wait3A_29 = tpu.memref_slice %arg2[%dma_wait3A_27, %dma_wait3A_28] : memref<8192x256xf32, #tpu.memory_space<hbm>> -> memref<8192x256xf32, #tpu.memory_space<hbm>>
    tpu.wait_indirect_dma semaphore(%arg10 : memref<!tpu.dma_semaphore, #tpu.memory_space<semaphore_mem>>) src(%dma_wait3A_29 : memref<8192x256xf32, #tpu.memory_space<hbm>>) dst(%arg8 : memref<128x256xf32, #tpu.memory_space<vmem>>)
    %mul3A_30 = arith.constant 512 : i32
    %mul3A_31 = arith.muli %add3A, %mul3A_30 : i32
    %add3A_32 = arith.constant 128 : i32
    %add3A_33 = arith.addi %mul3A_31, %add3A_32 : i32
    "tpu.region"() ({
      %run_scoped3A = tpu.sem_alloc : memref<!tpu.dma_semaphore, #tpu.memory_space<semaphore_mem>>
      %dma_start3A_55 = arith.constant 0 : i32
      %dma_start3A_56 = tpu.memref_slice %arg4[%add3A_33, %dma_start3A_55] : memref<16384x256xf32, #tpu.memory_space<hbm>> -> memref<128x256xf32, #tpu.memory_space<hbm>>
      %dma_start3A_57 = arith.constant 0 : i32
      %dma_start3A_58 = tpu.memref_slice %arg4[%add3A_33, %dma_start3A_57] : memref<16384x256xf32, #tpu.memory_space<hbm>> -> memref<128x256xf32, #tpu.memory_space<hbm>>
      tpu.enqueue_dma source(%arg8 : memref<128x256xf32, #tpu.memory_space<vmem>>) target(%dma_start3A_58 : memref<128x256xf32, #tpu.memory_space<hbm>>) target_semaphore(%run_scoped3A : memref<!tpu.dma_semaphore, #tpu.memory_space<semaphore_mem>>)
      %dma_wait3A_59 = arith.constant 0 : i32
      %dma_wait3A_60 = tpu.memref_slice %arg4[%add3A_33, %dma_wait3A_59] : memref<16384x256xf32, #tpu.memory_space<hbm>> -> memref<128x256xf32, #tpu.memory_space<hbm>>
      %dma_wait3A_61 = arith.constant 0 : i32
      %dma_wait3A_62 = tpu.memref_slice %arg4[%add3A_33, %dma_wait3A_61] : memref<16384x256xf32, #tpu.memory_space<hbm>> -> memref<128x256xf32, #tpu.memory_space<hbm>>
      tpu.wait_dma2 semaphore(%run_scoped3A : memref<!tpu.dma_semaphore, #tpu.memory_space<semaphore_mem>>) src(%arg8 : memref<128x256xf32, #tpu.memory_space<vmem>>) dst(%dma_wait3A_62 : memref<128x256xf32, #tpu.memory_space<hbm>>)
      tpu.yield
    }) : () -> ()
    %mul3A_34 = arith.constant 512 : i32
    %mul3A_35 = arith.muli %add3A, %mul3A_34 : i32
    %add3A_36 = arith.constant 384 : i32
    %add3A_37 = arith.addi %mul3A_35, %add3A_36 : i32
    "tpu.region"() ({
      %run_scoped3A = tpu.sem_alloc : memref<!tpu.dma_semaphore, #tpu.memory_space<semaphore_mem>>
      %dma_start3A_55 = tpu.memref_slice %arg3[%add3A_37] : memref<16384xi32, #tpu.memory_space<hbm>> -> memref<128xi32, #tpu.memory_space<hbm>>
      %dma_start3A_56 = tpu.memref_slice %arg3[%add3A_37] : memref<16384xi32, #tpu.memory_space<hbm>> -> memref<128xi32, #tpu.memory_space<hbm>>
      tpu.enqueue_dma source(%dma_start3A_56 : memref<128xi32, #tpu.memory_space<hbm>>) target(%arg6 : memref<128xi32, #tpu.memory_space<vmem>>) target_semaphore(%run_scoped3A : memref<!tpu.dma_semaphore, #tpu.memory_space<semaphore_mem>>)
      %dma_wait3A_57 = tpu.memref_slice %arg3[%add3A_37] : memref<16384xi32, #tpu.memory_space<hbm>> -> memref<128xi32, #tpu.memory_space<hbm>>
      %dma_wait3A_58 = tpu.memref_slice %arg3[%add3A_37] : memref<16384xi32, #tpu.memory_space<hbm>> -> memref<128xi32, #tpu.memory_space<hbm>>
      tpu.wait_dma2 semaphore(%run_scoped3A : memref<!tpu.dma_semaphore, #tpu.memory_space<semaphore_mem>>) src(%dma_wait3A_58 : memref<128xi32, #tpu.memory_space<hbm>>) dst(%arg6 : memref<128xi32, #tpu.memory_space<vmem>>)
      tpu.yield
    }) : () -> ()
    %dma_start3A_38 = arith.constant 0 : i32
    %dma_start3A_39 = arith.constant 0 : i32
    %dma_start3A_40 = tpu.memref_slice %arg2[%dma_start3A_38, %dma_start3A_39] : memref<8192x256xf32, #tpu.memory_space<hbm>> -> memref<8192x256xf32, #tpu.memory_space<hbm>>
    tpu.enqueue_indirect_dma source(%dma_start3A_40 : memref<8192x256xf32, #tpu.memory_space<hbm>>) target(%arg8 : memref<128x256xf32, #tpu.memory_space<vmem>>) offsets(%arg6 : memref<128xi32, #tpu.memory_space<vmem>>) semaphore(%arg10 : memref<!tpu.dma_semaphore, #tpu.memory_space<semaphore_mem>>)
    %dma_wait3A_41 = arith.constant 0 : i32
    %dma_wait3A_42 = arith.constant 0 : i32
    %dma_wait3A_43 = tpu.memref_slice %arg2[%dma_wait3A_41, %dma_wait3A_42] : memref<8192x256xf32, #tpu.memory_space<hbm>> -> memref<8192x256xf32, #tpu.memory_space<hbm>>
    tpu.wait_indirect_dma semaphore(%arg9 : memref<!tpu.dma_semaphore, #tpu.memory_space<semaphore_mem>>) src(%dma_wait3A_43 : memref<8192x256xf32, #tpu.memory_space<hbm>>) dst(%arg7 : memref<128x256xf32, #tpu.memory_space<vmem>>)
    %mul3A_44 = arith.constant 512 : i32
    %mul3A_45 = arith.muli %add3A, %mul3A_44 : i32
    %add3A_46 = arith.constant 256 : i32
    %add3A_47 = arith.addi %mul3A_45, %add3A_46 : i32
    "tpu.region"() ({
      %run_scoped3A = tpu.sem_alloc : memref<!tpu.dma_semaphore, #tpu.memory_space<semaphore_mem>>
      %dma_start3A_55 = arith.constant 0 : i32
      %dma_start3A_56 = tpu.memref_slice %arg4[%add3A_47, %dma_start3A_55] : memref<16384x256xf32, #tpu.memory_space<hbm>> -> memref<128x256xf32, #tpu.memory_space<hbm>>
      %dma_start3A_57 = arith.constant 0 : i32
      %dma_start3A_58 = tpu.memref_slice %arg4[%add3A_47, %dma_start3A_57] : memref<16384x256xf32, #tpu.memory_space<hbm>> -> memref<128x256xf32, #tpu.memory_space<hbm>>
      tpu.enqueue_dma source(%arg7 : memref<128x256xf32, #tpu.memory_space<vmem>>) target(%dma_start3A_58 : memref<128x256xf32, #tpu.memory_space<hbm>>) target_semaphore(%run_scoped3A : memref<!tpu.dma_semaphore, #tpu.memory_space<semaphore_mem>>)
      %dma_wait3A_59 = arith.constant 0 : i32
      %dma_wait3A_60 = tpu.memref_slice %arg4[%add3A_47, %dma_wait3A_59] : memref<16384x256xf32, #tpu.memory_space<hbm>> -> memref<128x256xf32, #tpu.memory_space<hbm>>
      %dma_wait3A_61 = arith.constant 0 : i32
      %dma_wait3A_62 = tpu.memref_slice %arg4[%add3A_47, %dma_wait3A_61] : memref<16384x256xf32, #tpu.memory_space<hbm>> -> memref<128x256xf32, #tpu.memory_space<hbm>>
      tpu.wait_dma2 semaphore(%run_scoped3A : memref<!tpu.dma_semaphore, #tpu.memory_space<semaphore_mem>>) src(%arg7 : memref<128x256xf32, #tpu.memory_space<vmem>>) dst(%dma_wait3A_62 : memref<128x256xf32, #tpu.memory_space<hbm>>)
      tpu.yield
    }) : () -> ()
    %dma_wait3A_48 = arith.constant 0 : i32
    %dma_wait3A_49 = arith.constant 0 : i32
    %dma_wait3A_50 = tpu.memref_slice %arg2[%dma_wait3A_48, %dma_wait3A_49] : memref<8192x256xf32, #tpu.memory_space<hbm>> -> memref<8192x256xf32, #tpu.memory_space<hbm>>
    tpu.wait_indirect_dma semaphore(%arg10 : memref<!tpu.dma_semaphore, #tpu.memory_space<semaphore_mem>>) src(%dma_wait3A_50 : memref<8192x256xf32, #tpu.memory_space<hbm>>) dst(%arg8 : memref<128x256xf32, #tpu.memory_space<vmem>>)
    %mul3A_51 = arith.constant 512 : i32
    %mul3A_52 = arith.muli %add3A, %mul3A_51 : i32
    %add3A_53 = arith.constant 384 : i32
    %add3A_54 = arith.addi %mul3A_52, %add3A_53 : i32
    "tpu.region"() ({
      %run_scoped3A = tpu.sem_alloc : memref<!tpu.dma_semaphore, #tpu.memory_space<semaphore_mem>>
      %dma_start3A_55 = arith.constant 0 : i32
      %dma_start3A_56 = tpu.memref_slice %arg4[%add3A_54, %dma_start3A_55] : memref<16384x256xf32, #tpu.memory_space<hbm>> -> memref<128x256xf32, #tpu.memory_space<hbm>>
      %dma_start3A_57 = arith.constant 0 : i32
      %dma_start3A_58 = tpu.memref_slice %arg4[%add3A_54, %dma_start3A_57] : memref<16384x256xf32, #tpu.memory_space<hbm>> -> memref<128x256xf32, #tpu.memory_space<hbm>>
      tpu.enqueue_dma source(%arg8 : memref<128x256xf32, #tpu.memory_space<vmem>>) target(%dma_start3A_58 : memref<128x256xf32, #tpu.memory_space<hbm>>) target_semaphore(%run_scoped3A : memref<!tpu.dma_semaphore, #tpu.memory_space<semaphore_mem>>)
      %dma_wait3A_59 = arith.constant 0 : i32
      %dma_wait3A_60 = tpu.memref_slice %arg4[%add3A_54, %dma_wait3A_59] : memref<16384x256xf32, #tpu.memory_space<hbm>> -> memref<128x256xf32, #tpu.memory_space<hbm>>
      %dma_wait3A_61 = arith.constant 0 : i32
      %dma_wait3A_62 = tpu.memref_slice %arg4[%add3A_54, %dma_wait3A_61] : memref<16384x256xf32, #tpu.memory_space<hbm>> -> memref<128x256xf32, #tpu.memory_space<hbm>>
      tpu.wait_dma2 semaphore(%run_scoped3A : memref<!tpu.dma_semaphore, #tpu.memory_space<semaphore_mem>>) src(%arg8 : memref<128x256xf32, #tpu.memory_space<vmem>>) dst(%dma_wait3A_62 : memref<128x256xf32, #tpu.memory_space<hbm>>)
      tpu.yield
    }) : () -> ()
    return
  }
}

</mosaic_0001>

<sc_bundles>
// kernel: kernel.3.cloned.1.call-start
scs
__scs_entry_jumppad:
0x0: {  	(pc) =	sbr.rel $0x88, $3  }
0x1: {  	(tag) =	ssettag $0x0;
	lr =	simm.s32 $0x1  }
0x2: {  	[smem:$0x3F9F] =	sst lr;
	_ =	strace $0xD0000000  }
0x3: {  	_ = 	snop  }
0x4: {  	_ = 	snop  }
0x5: {  	_ = 	snop  }
0x6: {  	_ = 	snop  }
0x7: {  	_ = 	snop  }
__scs_overlays_trampoline_lowered:
0x8: {  	[smem:$0x3FAE] =	sst s0  }
0x9: {  	[smem:$0x3FAF] =	sst s1  }
0xa: {  	[smem:$0x3FB0] =	sst s2  }
0xb: {  	[smem:$0x3FB1] =	sst s3  }
0xc: {  	[smem:$0x3FB2] =	sst s4  }
0xd: {  	[smem:$0x3FB3] =	sst s5  }
0xe: {  	[smem:$0x3FB4] =	sst s6  }
0xf: {  	[smem:$0x3FB5] =	sst s7  }
0x10: {  	[smem:$0x3FB6] =	sst s8  }
0x11: {  	[smem:$0x3FB7] =	sst s9;
	s0 =	simm.s32 @!p0 $0x0  }
0x12: {  	s1 =	sld [smem:$0x3F9D];
	s0 =	simm.s32 @p0 $0x1  }
0x13: {  	[smem:$0x3FB8] =	sst s0;
	s0 =	simm.s32 @!p1 $0x0  }
0x14: {  	s2 =	sld [smem:$0x3F9C];
	s0 =	simm.s32 @p1 $0x1  }
0x15: {  	[smem:$0x3FB9] =	sst s0;
	s0 =	simm.s32 @!p2 $0x0  }
0x16: {  	s3 =	sld [smem:$0x3FDB];
	s0 =	simm.s32 @p2 $0x1  }
0x17: {  	s4 =	simm.s32 $0x1BF5;
	[smem:$0x3FBB] =	sst s0  }
0x18: {  	s0 =	sld [smem:$0x3F9E];
	_ =	swait.ge [sflag:s4], $0x0  }
0x19: {  	s7 =	sld [smem:$0x3F9F]  }
0x1a: {  	s8 =	sadd.s32 $0xFFFFE003, lr  }
0x1b: {  	s9 =	sadd.s32 $0xFFFFFEF7, lr;
	s5 =	simm.s32 $0xFFFFFFFF;
	p2 =	slt.u32 s8, $0xFFFFF086  }
0x1c: {  	p1 =	slt.u32 s9, $0xF7A;
	s5 =	simm.s32 @!p2 $0x0  }
0x1d: {  	s5 =	simm.s32 @p1 $0x1;
	p0 =	seq.s32 s7, s2  }
0x1e: {  	s7 =	smul.u32 @!p0 $0xF7A, s2;
	p2 =	seq.s32 @!p0 s5, $0x0  }
0x1f: {  	s9 =	smul.u32 $0xF7A, s1;
	s8 =	simm.s32 @!p0 $0x1BF5;
	p2 =	por !p2, p0  }
0x20: {  	[sflag:s8] =	ssyncset.s32 @!p0 $0xFFFFF086;
	s6 =	sadd.s32 @!p0 s3, s7;
	s7 =	simm.s32 @!p0 $0x108  }
0x21: {  	s3 =	sadd.s32 s3, s9;
	s6 =	sadd.s32 @!p0 $0x88, s6;
	s7 =	simm.s32 @p2 $0x1082  }
0x22: {  	[simem:s7], [sflag:s8] =	dma.local @!p0 [hbm:s6], $0xF7A  }
0x23: {  	s9 =	sor.u32 $0xD0000000, s2;
	s6 =	simm.s32 $0x108;
	_ =	swait.ge @!p0 [sflag:s8], $0x0  }
0x24: {  	s3 =	sadd.s32 $0x88, s3;
	s6 =	simm.s32 @!p1 $0x1082;
	[sflag:s4] =	ssyncset.s32 $0xFFFFF086  }
0x25: {  	[simem:s6], [sflag:s4] =	dma.local [hbm:s3], $0xF7A  }
0x26: {  	[smem:$0x3F9F] =	sst s1;
	(tag) =	ssettag s2;
	_ =	strace s9  }
0x27: {  	s1 =	sld [smem:$0x3FAF]  }
0x28: {  	s2 =	sld [smem:$0x3FB0]  }
0x29: {  	s4 =	sld [smem:$0x3FB2]  }
0x2a: {  	p0 =	seq.s32 s5, $0x0;
	s5 =	sld [smem:$0x3FB3]  }
0x2b: {  	s6 =	sld [smem:$0x3FB4]  }
0x2c: {  	s7 =	sld [smem:$0x3FB5]  }
0x2d: {  	s3 =	simm.s32 $0x108;
	s8 =	sld [smem:$0x3FB6]  }
0x2e: {  	s3 =	simm.s32 @!p0 $0x1082;
	s9 =	sld [smem:$0x3FB7]  }
0x2f: {  	lr =	sadd.s32 s0, s3;
	s0 =	sld [smem:$0x3FAE]  }
0x30: {  	s3 =	sld [smem:$0x3FB1]  }
0x31: {  	[smem:$0x3FBA] =	sst s10  }
0x32: {  	s10 =	sld [smem:$0x3FB8];
	_ =	sdelay $0x3  }
0x33: {  	p0 =	seq.s32 s10, $0x1;
	s10 =	sld [smem:$0x3FBA];
	_ =	sdelay $0x3  }
0x34: {  	[smem:$0x3FBA] =	sst s10  }
0x35: {  	s10 =	sld [smem:$0x3FB9];
	_ =	sdelay $0x3  }
0x36: {  	p1 =	seq.s32 s10, $0x1;
	s10 =	sld [smem:$0x3FBA];
	_ =	sdelay $0x3  }
0x37: {  	[smem:$0x3FBA] =	sst s10  }
0x38: {  	s10 =	sld [smem:$0x3FBB]  }
0x39: {  	_ = 	snop;
	(pc) =	sbr.ind lr, $3  }
0x3a: {  	_ = 	snop  }
0x3b: {  	_ = 	snop  }
0x3c: {  	p2 =	seq.s32 s10, $0x1;
	s10 =	sld [smem:$0x3FBA]  }
0x3d: {  	_ =	shalt  }
0x3e: {  	_ =	shalt  }
0x3f: {  	_ =	shalt  }
0x40: {  	_ =	shalt  }
0x41: {  	_ =	shalt  }
0x42: {  	_ =	shalt  }
0x43: {  	_ =	shalt  }
0x44: {  	_ =	shalt  }
0x45: {  	_ =	shalt  }
0x46: {  	_ =	shalt  }
0x47: {  	_ =	shalt  }
0x48: {  	_ =	shalt  }
0x49: {  	_ =	shalt  }
0x4a: {  	_ =	shalt  }
0x4b: {  	_ =	shalt  }
0x4c: {  	_ =	shalt  }
0x4d: {  	_ =	shalt  }
0x4e: {  	_ =	shalt  }
0x4f: {  	_ =	shalt  }
0x50: {  	_ =	shalt  }
0x51: {  	_ =	shalt  }
0x52: {  	_ =	shalt  }
0x53: {  	_ =	shalt  }
0x54: {  	_ =	shalt  }
0x55: {  	_ =	shalt  }
0x56: {  	_ =	shalt  }
0x57: {  	_ =	shalt  }
0x58: {  	_ =	shalt  }
0x59: {  	_ =	shalt  }
0x5a: {  	_ =	shalt  }
0x5b: {  	_ =	shalt  }
0x5c: {  	_ =	shalt  }
0x5d: {  	_ =	shalt  }
0x5e: {  	_ =	shalt  }
0x5f: {  	_ =	shalt  }
0x60: {  	_ =	shalt  }
0x61: {  	_ =	shalt  }
0x62: {  	_ =	shalt  }
0x63: {  	_ =	shalt  }
0x64: {  	_ =	shalt  }
0x65: {  	_ =	shalt  }
0x66: {  	_ =	shalt  }
0x67: {  	_ =	shalt  }
0x68: {  	_ =	shalt  }
0x69: {  	_ =	shalt  }
0x6a: {  	_ =	shalt  }
0x6b: {  	_ =	shalt  }
0x6c: {  	_ =	shalt  }
0x6d: {  	_ =	shalt  }
0x6e: {  	_ =	shalt  }
0x6f: {  	_ =	shalt  }
0x70: {  	_ =	shalt  }
0x71: {  	_ =	shalt  }
0x72: {  	_ =	shalt  }
0x73: {  	_ =	shalt  }
0x74: {  	_ =	shalt  }
0x75: {  	_ =	shalt  }
0x76: {  	_ =	shalt  }
0x77: {  	_ =	shalt  }
0x78: {  	_ =	shalt  }
0x79: {  	_ =	shalt  }
0x7a: {  	_ =	shalt  }
0x7b: {  	_ =	shalt  }
0x7c: {  	_ =	shalt  }
0x7d: {  	_ =	shalt  }
0x7e: {  	_ =	shalt  }
0x7f: {  	_ =	shalt  }
0x80: {  	_ =	shalt  }
0x81: {  	_ =	shalt  }
0x82: {  	_ =	shalt  }
0x83: {  	_ =	shalt  }
0x84: {  	_ =	shalt  }
0x85: {  	_ =	shalt  }
0x86: {  	_ =	shalt  }
0x87: {  	_ =	shalt  }
.Lfunc_end0:
.L_simem_size_0:
called_computation.1_lowered:
.L_overlay_start_0:
0x88: {  	s2 =	sld [smem:$0x3FD9]  }
0x89: {  	s3 =	sld [smem:$0x3FFE];
	_ =	sdelay $0x1  }
0x8a: {  	s1 =	srdreg.scid  }
0x8b: {  	s0 =	sand.u32 $0x1, s1  }
0x8c: {  	s15 =	sshll.u32 s0, $0xA;
	s2 =	sadd.s32 s3, s2  }
0x8d: {  	s2 =	sadd.s32 s2, s15  }
0x8e: {  	[smem:$0x3FC6] =	sst s2  }
0x8f: {  	_ = 	snop  }
0x90: {  	s2 =	sld [smem:$0x3FD0];
	_ =	sdelay $0x2  }
0x91: {  	s16 =	simm.s32 $0xB;
	s4 =	simm.s32 $0x10  }
0x92: {  	[smem:s4], [sflag:s16] =	dma.local [hbm:s2], $0x1  }
0x93: {  	_ =	swait.eq [sflag:s16], $0x1  }
0x94: {  	[sflag:s16] =	ssyncset.done $0x0  }
0x95: {  	[sflag:s16] =	ssyncadd.s32 $0xFFFFFFFF  }
0x96: {  	s17 =	sld [smem:$0x10];
	(tm) =	ssettm $0x1  }
0x97: {  	s18 =	sld [smem:$0x3FFB];
	_ =	sdelay $0x3  }
0x98: {  	_ =	strace s18  }
0x99: {  	s2 =	sld [smem:$0x3FFC];
	_ =	sdelay $0x3  }
0x9a: {  	_ =	strace s2  }
0x9b: {  	s2 =	sld [smem:$0x3FFD];
	_ =	sdelay $0x3  }
0x9c: {  	_ =	strace s2  }
0x9d: {  	_ =	strace $0x8FFFFFFF  }
0x9e: {  	s19 =	sld [smem:$0x3FDB];
	_ =	sdelay $0x1  }
0x9f: {  	s20 =	simm.s32 $_scs_section_size  }
0xa0: {  	s5 =	simm.s32 $_size__tile_overlayer_lowered;
	s6 =	simm.s32 $_tile_overlayer_lowered  }
0xa1: {  	s7 =	simm.s32 $0x1BFF;
	s21 =	sshll.u32 s6, $0x1;
	s4 =	sadd.s32 s20, s19  }
0xa2: {  	s22 =	simm.s32 $0x0;
	s5 =	sshll.u32 s5, $0x1;
	s6 =	sadd.s32 s21, s4  }
0xa3: {  	[timem:s22], [sflag:s7] =	dma.local [hbm:s6], s5  }
0xa4: {  	_ =	swait.ge [sflag:s7], s5  }
0xa5: {  	s5 =	ssub.s32 $0x0, s5;
	[sflag:s7] =	ssyncset.done $0x0  }
0xa6: {  	[sflag:s7] =	ssyncadd.s32 s5;
	_ =	sdelay $0x1  }
0xa7: {  	s23 =	simm.s32 $0x1B8B  }
0xa8: {  	_ =	swait.ge [sflag:s23], $0x1  }
0xa9: {  	[sflag:s23] =	ssyncset.done $0x0  }
0xaa: {  	[sflag:s23] =	ssyncadd.s32 $0xFFFFFFFF  }
0xab: {  	s5 =	sld [smem:$0x0]  }
0xac: {  	s6 =	sand.u32 $0xFFFFFFFE, s1  }
0xad: {  	p0 =	sne.s32 s1, s6  }
0xae: {  	s6 =	sshll.u32 @p0 s6, $0xE  }
0xaf: {  	s6 =	sadd.s32 @p0 $0x11B8D, s6;
	s7 =	sshll.u32 @p0 s5, $0x11  }
0xb0: {  	s6 =	sor.u32 @p0 s7, s6  }
0xb1: {  	[sflag:s6] =	ssyncadd.remote.s32 @p0 $0x1;
	_ =	sdelay $0x1  }
0xb2: {  	s6 =	simm.s32 @p0 $0x1B8D  }
0xb3: {  	_ =	swait.eq @p0 [sflag:s6], $0x1  }
0xb4: {  	[sflag:s6] =	ssyncadd.s32 @p0 $0xFFFFFFFF  }
0xb5: {  	s7 =	sshll.u32 @!p0 s1, $0xE  }
0xb6: {  	s7 =	sor.u32 @!p0 $0x4000, s7;
	s6 =	simm.s32 @!p0 $0x1B8D  }
0xb7: {  	s5 =	sshll.u32 @!p0 s5, $0x11;
	s7 =	sadd.s32 @!p0 $0x11B8D, s7;
	_ =	swait.eq @!p0 [sflag:s6], $0x1  }
0xb8: {  	s5 =	sor.u32 @!p0 s5, s7;
	[sflag:s6] =	ssyncadd.s32 @!p0 $0xFFFFFFFF  }
0xb9: {  	s25 =	simm.s32 $0x1B8E;
	s24 =	sld [smem:$0x3FFE];
	[sflag:s5] =	ssyncadd.remote.s32 @!p0 $0x1  }
0xba: {  	s26 =	simm.s32 $execute0_lowered;
	[smem:$0x3FD2] =	sst s25  }
0xbb: {  	s6 =	sshll.u32 s26, $0x1;
	_ =	strace $0x80000049;
	[dreg:$0x1] =	wrdreg $0xFFFFFFFF  }
0xbc: {  	s28 =	simm.s32 $_size_execute0_lowered;
	s4 =	sadd.s32 s4, s6;
	[dreg:$0x0] =	wrdreg $0x0  }
0xbd: {  	s6 =	sshll.u32 s28, $0x1;
	[dreg:$0x2] =	wrdreg s4  }
0xbe: {  	[dreg:$0x3] =	wrdreg s6  }
0xbf: {  	[dreg:$0x4] =	wrdreg $0xC0  }
0xc0: {  	_ =	task [dreg:s22], $0x5FFFF  }
0xc1: {  	[dreg:$0x1] =	wrdreg $0xFFFFFFFF  }
0xc2: {  	[dreg:$0x0] =	wrdreg $0x60  }
0xc3: {  	[dreg:$0x2] =	wrdreg s24  }
0xc4: {  	[dreg:$0x3] =	wrdreg s17  }
0xc5: {  	[dreg:$0x4] =	wrdreg $0xA  }
0xc6: {  	_ =	task.clear_ibuf [dreg:s22], $0x5FFFF;
	_ =	strace $0x90000049  }
0xc7: {  	s29 =	simm.s32 $0xA;
	_ =	strace $0x8000004B  }
0xc8: {  	_ =	swait.ge [sflag:s29], $0x1  }
0xc9: {  	[sflag:s29] =	ssyncadd.s32 $0xFFFFFFFF  }
0xca: {  	_ =	strace $0x9000004B  }
0xcb: {  	_ =	sfence  }
0xcc: {  	s30 =	sld [smem:$0x0];
	_ =	sdelay $0x2  }
0xcd: {  	s31 =	sshll.u32 s1, $0xD;
	s1 =	sshrl.u32 s1, $0x2  }
0xce: {  	s4 =	sand.u32 $0x4000, s31;
	s1 =	sadd.s32 s1, s30  }
0xcf: {  	s0 =	sor.u32 s4, s0;
	s1 =	sshll.u32 s1, $0x11  }
0xd0: {  	s0 =	sor.u32 s1, s0  }
0xd1: {  	s0 =	sadd.s32 $0x8F2B, s0  }
0xd2: {  	[sflag:s0] =	ssyncadd.remote.s32 $0x1  }
0xd3: {  	_ =	sfence.sel $0xFFFF  }
0xd4: {  	[dreg:$0x0] =	wrdreg $0xFFFFFFFF;
	(pc) =	sbr.abs _section_cstart, $3  }
0xd5: {  	[dreg:$0x1] =	wrdreg $0xFFFFFFFF  }
0xd6: {  	_ =	task.clear_ibuf [dreg:s22], $0x2FFFF;
	_ =	strace $0x9FFFFFFF  }
0xd7: {  	(tm) =	ssettm $0x7FFFFFFF  }
tec
execute0_lowered:
.L_overlay_start_1:
0x0: {  	(tag) =	ssettag $0x1  }
0x1: {  	s1 =	rddreg [dreg:$0x0]  }
0x2: {  	s0 =	rddreg [dreg:$0x1];
	s2 =	srdreg.scid;
	s3 =	simm.s32 $0x0  }
0x3: {  	s4 =	stileid.u32;
	s14 =	simm.s32 $0x2;
	s16 =	simm.s32 $0x900  }
0x4: {  	s28 =	simm.s32 $0x5900;
	s29 =	simm.s32 $0x6100;
	s30 =	simm.s32 $0x6900  }
0x5: {  	s31 =	simm.s32 $0x7100;
	s10 =	simm.s32 $0xA100;
	s11 =	simm.s32 $0xA900  }
0x6: {  	s12 =	simm.s32 $0xB100;
	s2 =	sand.u32 $0x1, s2;
	[smem:$0x7FF] =	sst s3  }
0x7: {  	s4 =	sshll.u32 s4, $0xA;
	s17 =	sadd.s32 $0x40000, s1;
	s5 =	sshll.u32 s2, $0x9  }
0x8: {  	_ =	strace $0x8000004A;
	s2 =	ssub.s32 $0x2, s2;
	s4 =	sor.u32 s5, s4  }
0x9: {  	s9 =	sshrl.u32 s2, $0x1;
	s6 =	sshrl.u32 s4, $0x3;
	s7 =	sor.u32 $0x80, s4  }
0xa: {  	s19 =	sshll.u32 s4, $0x5;
	s21 =	sor.u32 $0x100, s4;
	s4 =	sor.u32 $0x180, s4  }
0xb: {  	s2 =	ssub.s32 s2, s9;
	s9 =	simm.s32 $0x9900;
	s6 =	sadd.s32 s17, s6  }
0xc: {  	s8 =	sshrl.u32 s7, $0x3;
	s20 =	sadd.s32 s0, s19;
	s22 =	sshrl.u32 s21, $0x3  }
0xd: {  	s7 =	sshll.u32 s7, $0x5;
	s24 =	sshrl.u32 s4, $0x3;
	s25 =	sshll.u32 s21, $0x5  }
0xe: {  	s4 =	sshll.u32 s4, $0x5;
	s19 =	simm.s32 $0x2100;
	[dreg:$0x3] =	wrdreg s6  }
0xf: {  	s21 =	simm.s32 $0x3100;
	s18 =	sadd.s32 s17, s8;
	[dreg:$0x5] =	wrdreg s20  }
0x10: {  	s6 =	sadd.s32 s17, s22;
	s23 =	sadd.s32 s0, s7;
	s5 =	sadd.s32 s17, s24  }
0x11: {  	s26 =	sadd.s32 s0, s25;
	s0 =	sadd.s32 s0, s4;
	[dreg:$0x4] =	wrdreg s18  }
0x12: {  	s4 =	smax.u32 s2, $0x1;
	s17 =	simm.s32 $0x1100;
	[dreg:$0x6] =	wrdreg s6  }
0x13: {  	s20 =	simm.s32 $0x2900;
	s22 =	simm.s32 $0x3900;
	[dreg:$0x7] =	wrdreg s23  }
0x14: {  	s24 =	simm.s32 $0x4100;
	s25 =	simm.s32 $0x4900;
	[dreg:$0x8] =	wrdreg s5  }
0x15: {  	v2 =	vlaneseq.u32;
	s7 =	simm.s32 $0x8900;
	s8 =	simm.s32 $0x9100;
	[dreg:$0x9] =	wrdreg s26  }
0x16: {  	vm0 =	vmmov $0xffff;
	v1 =	vshrl.u32 v2, $0x3;
	[dreg:$0xa] =	wrdreg s0;
	s5 =	simm.s32 $0x3;
	s6 =	simm.s32 $0x1  }
0x17: {  	v0 =	vand.u32 $0x7, v2;
	v2 =	vor.u32 $0x8, v2;
	v1 =	vmul.u32 $0x8, v1;
	s18 =	simm.s32 $0x1900;
	s26 =	simm.s32 $0x5100;
	s23 =	simm.s32 $0x80  }
.LBB2_1:
0x18: {  	s15 =	rddreg [dreg:$0x3]  }
0x19: {  	[tilespmem:s3], [sflag:$0x3] =	stream.linear.gather [hbm4b:s15+s3], $0x80, $0x38;
	[tilespmem:$0x10100] =	vst v63  }
0x1a: {  	_ =	swait.ge [sflag:s5], $0x80  }
0x1b: {  	[sflag:s5] =	ssyncset.done $0x0  }
0x1c: {  	[sflag:s5] =	ssyncadd.s32 $0xFFFFFF80  }
0x1d: {  	v3 =	vld [tilespmem:$0x0];
	_ =	sdelay $0x4  }
0x1e: {  	v4 =	vshll.u32 v3, $0x1  }
0x1f: {  	v3 =	vand.u32 $0x7, v3;
	v4 =	vand.u32 $0xFFFFFFF0, v4  }
0x20: {  	v3 =	vor.u32 v3, v4  }
0x21: {  	v4 =	vperm.xlane v3, v0;
	_ =	sdelay $0x1  }
0x22: {  	v3 =	vperm.xlane v3, v2;
	v4 =	vadd.s32 v1, v4;
	_ =	sdelay $0x1  }
0x23: {  	v3 =	vadd.s32 v1, v3;
	_ =	sdelay $0x1  }
0x24: {  	s0 =	simm.s32 $0x100  }
0x25: {  	[tilespmem:s0], [sflag:$0x1] =	stream.indirect_vreg.gather [hbm4b:s1+s3], $0x80, v4, vm0, $0xb8;
	[tilespmem:$0x10100] =	vst v63  }
0x26: {  	_ = 	snop  }
0x27: {  	[tilespmem:s16], [sflag:$0x1] =	stream.indirect_vreg.gather [hbm4b:s1+s3], $0x80, v3, vm0, $0xb8;
	[tilespmem:$0x10100] =	vst v63  }
0x28: {  	v3 =	vld [tilespmem:$0x10];
	_ =	sdelay $0x4  }
0x29: {  	v33 =	vshll.u32 v3, $0x1  }
0x2a: {  	v3 =	vand.u32 $0x7, v3;
	v4 =	vand.u32 $0xFFFFFFF0, v33  }
0x2b: {  	v3 =	vor.u32 v3, v4  }
0x2c: {  	v4 =	vperm.xlane v3, v0;
	_ =	sdelay $0x1  }
0x2d: {  	v3 =	vperm.xlane v3, v2;
	v4 =	vadd.s32 v1, v4;
	_ =	sdelay $0x1  }
0x2e: {  	v3 =	vadd.s32 v1, v3;
	_ =	sdelay $0x2  }
0x2f: {  	[tilespmem:s17], [sflag:$0x1] =	stream.indirect_vreg.gather [hbm4b:s1+s3], $0x80, v4, vm0, $0xb8;
	[tilespmem:$0x10100] =	vst v63  }
0x30: {  	_ = 	snop  }
0x31: {  	[tilespmem:s18], [sflag:$0x1] =	stream.indirect_vreg.gather [hbm4b:s1+s3], $0x80, v3, vm0, $0xb8;
	[tilespmem:$0x10100] =	vst v63  }
0x32: {  	v3 =	vld [tilespmem:$0x20];
	_ =	sdelay $0x4  }
0x33: {  	v34 =	vshll.u32 v3, $0x1  }
0x34: {  	v3 =	vand.u32 $0x7, v3;
	v4 =	vand.u32 $0xFFFFFFF0, v34  }
0x35: {  	v3 =	vor.u32 v3, v4  }
0x36: {  	v4 =	vperm.xlane v3, v0;
	_ =	sdelay $0x1  }
0x37: {  	v3 =	vperm.xlane v3, v2;
	v4 =	vadd.s32 v1, v4;
	_ =	sdelay $0x1  }
0x38: {  	v3 =	vadd.s32 v1, v3;
	_ =	sdelay $0x2  }
0x39: {  	[tilespmem:s19], [sflag:$0x1] =	stream.indirect_vreg.gather [hbm4b:s1+s3], $0x80, v4, vm0, $0xb8;
	[tilespmem:$0x10100] =	vst v63  }
0x3a: {  	_ = 	snop  }
0x3b: {  	[tilespmem:s20], [sflag:$0x1] =	stream.indirect_vreg.gather [hbm4b:s1+s3], $0x80, v3, vm0, $0xb8;
	[tilespmem:$0x10100] =	vst v63  }
0x3c: {  	v3 =	vld [tilespmem:$0x30];
	_ =	sdelay $0x4  }
0x3d: {  	v35 =	vshll.u32 v3, $0x1  }
0x3e: {  	v3 =	vand.u32 $0x7, v3;
	v4 =	vand.u32 $0xFFFFFFF0, v35  }
0x3f: {  	v3 =	vor.u32 v3, v4  }
0x40: {  	v4 =	vperm.xlane v3, v0;
	_ =	sdelay $0x1  }
0x41: {  	v3 =	vperm.xlane v3, v2;
	v4 =	vadd.s32 v1, v4;
	_ =	sdelay $0x1  }
0x42: {  	v3 =	vadd.s32 v1, v3;
	_ =	sdelay $0x2  }
0x43: {  	[tilespmem:s21], [sflag:$0x1] =	stream.indirect_vreg.gather [hbm4b:s1+s3], $0x80, v4, vm0, $0xb8;
	[tilespmem:$0x10100] =	vst v63  }
0x44: {  	_ = 	snop  }
0x45: {  	[tilespmem:s22], [sflag:$0x1] =	stream.indirect_vreg.gather [hbm4b:s1+s3], $0x80, v3, vm0, $0xb8;
	[tilespmem:$0x10100] =	vst v63  }
0x46: {  	v3 =	vld [tilespmem:$0x40];
	_ =	sdelay $0x4  }
0x47: {  	v36 =	vshll.u32 v3, $0x1  }
0x48: {  	v3 =	vand.u32 $0x7, v3;
	v4 =	vand.u32 $0xFFFFFFF0, v36  }
0x49: {  	v3 =	vor.u32 v3, v4  }
0x4a: {  	v4 =	vperm.xlane v3, v0;
	_ =	sdelay $0x1  }
0x4b: {  	v3 =	vperm.xlane v3, v2;
	v4 =	vadd.s32 v1, v4;
	_ =	sdelay $0x1  }
0x4c: {  	v3 =	vadd.s32 v1, v3;
	_ =	sdelay $0x2  }
0x4d: {  	[tilespmem:s24], [sflag:$0x1] =	stream.indirect_vreg.gather [hbm4b:s1+s3], $0x80, v4, vm0, $0xb8;
	[tilespmem:$0x10100] =	vst v63  }
0x4e: {  	_ = 	snop  }
0x4f: {  	[tilespmem:s25], [sflag:$0x1] =	stream.indirect_vreg.gather [hbm4b:s1+s3], $0x80, v3, vm0, $0xb8;
	[tilespmem:$0x10100] =	vst v63  }
0x50: {  	v3 =	vld [tilespmem:$0x50];
	_ =	sdelay $0x4  }
0x51: {  	v37 =	vshll.u32 v3, $0x1  }
0x52: {  	v3 =	vand.u32 $0x7, v3;
	v4 =	vand.u32 $0xFFFFFFF0, v37  }
0x53: {  	v3 =	vor.u32 v3, v4  }
0x54: {  	v4 =	vperm.xlane v3, v0;
	_ =	sdelay $0x1  }
0x55: {  	v3 =	vperm.xlane v3, v2;
	v4 =	vadd.s32 v1, v4;
	_ =	sdelay $0x1  }
0x56: {  	v3 =	vadd.s32 v1, v3;
	_ =	sdelay $0x2  }
0x57: {  	[tilespmem:s26], [sflag:$0x1] =	stream.indirect_vreg.gather [hbm4b:s1+s3], $0x80, v4, vm0, $0xb8;
	[tilespmem:$0x10100] =	vst v63  }
0x58: {  	_ = 	snop  }
0x59: {  	[tilespmem:s28], [sflag:$0x1] =	stream.indirect_vreg.gather [hbm4b:s1+s3], $0x80, v3, vm0, $0xb8;
	[tilespmem:$0x10100] =	vst v63  }
0x5a: {  	v3 =	vld [tilespmem:$0x60];
	_ =	sdelay $0x4  }
0x5b: {  	v38 =	vshll.u32 v3, $0x1  }
0x5c: {  	v3 =	vand.u32 $0x7, v3;
	v4 =	vand.u32 $0xFFFFFFF0, v38  }
0x5d: {  	v3 =	vor.u32 v3, v4  }
0x5e: {  	v4 =	vperm.xlane v3, v0;
	_ =	sdelay $0x1  }
0x5f: {  	v3 =	vperm.xlane v3, v2;
	v4 =	vadd.s32 v1, v4;
	_ =	sdelay $0x1  }
0x60: {  	v3 =	vadd.s32 v1, v3;
	_ =	sdelay $0x2  }
0x61: {  	[tilespmem:s29], [sflag:$0x1] =	stream.indirect_vreg.gather [hbm4b:s1+s3], $0x80, v4, vm0, $0xb8;
	[tilespmem:$0x10100] =	vst v63  }
0x62: {  	_ = 	snop  }
0x63: {  	[tilespmem:s30], [sflag:$0x1] =	stream.indirect_vreg.gather [hbm4b:s1+s3], $0x80, v3, vm0, $0xb8;
	[tilespmem:$0x10100] =	vst v63  }
0x64: {  	v3 =	vld [tilespmem:$0x70];
	_ =	sdelay $0x4  }
0x65: {  	v39 =	vshll.u32 v3, $0x1  }
0x66: {  	v3 =	vand.u32 $0x7, v3;
	v4 =	vand.u32 $0xFFFFFFF0, v39  }
0x67: {  	v3 =	vor.u32 v3, v4  }
0x68: {  	v4 =	vperm.xlane v3, v0;
	_ =	sdelay $0x1  }
0x69: {  	v3 =	vperm.xlane v3, v2;
	v4 =	vadd.s32 v1, v4;
	_ =	sdelay $0x1  }
0x6a: {  	v3 =	vadd.s32 v1, v3;
	_ =	sdelay $0x2  }
0x6b: {  	[tilespmem:s31], [sflag:$0x1] =	stream.indirect_vreg.gather [hbm4b:s1+s3], $0x80, v4, vm0, $0xb8;
	[tilespmem:$0x10100] =	vst v63  }
0x6c: {  	s2 =	simm.s32 $0x7900  }
0x6d: {  	[tilespmem:s2], [sflag:$0x1] =	stream.indirect_vreg.gather [hbm4b:s1+s3], $0x80, v3, vm0, $0xb8;
	[tilespmem:$0x10100] =	vst v63  }
0x6e: {  	s13 =	rddreg [dreg:$0x4]  }
0x6f: {  	[tilespmem:s23], [sflag:$0x3] =	stream.linear.gather [hbm4b:s13+s3], $0x80, $0x38;
	[tilespmem:$0x10100] =	vst v63  }
0x70: {  	_ =	swait.ge [sflag:s5], $0x80  }
0x71: {  	[sflag:s5] =	ssyncset.done $0x0  }
0x72: {  	[sflag:s5] =	ssyncadd.s32 $0xFFFFFF80  }
0x73: {  	v3 =	vld [tilespmem:$0x80];
	_ =	sdelay $0x4  }
0x74: {  	v40 =	vshll.u32 v3, $0x1  }
0x75: {  	v3 =	vand.u32 $0x7, v3;
	v4 =	vand.u32 $0xFFFFFFF0, v40  }
0x76: {  	v3 =	vor.u32 v3, v4  }
0x77: {  	v4 =	vperm.xlane v3, v0;
	_ =	sdelay $0x1  }
0x78: {  	v3 =	vperm.xlane v3, v2;
	v4 =	vadd.s32 v1, v4;
	_ =	sdelay $0x1  }
0x79: {  	v3 =	vadd.s32 v1, v3;
	_ =	sdelay $0x1  }
0x7a: {  	s0 =	simm.s32 $0x8100  }
0x7b: {  	[tilespmem:s0], [sflag:$0x2] =	stream.indirect_vreg.gather [hbm4b:s1+s3], $0x80, v4, vm0, $0xb8;
	[tilespmem:$0x10100] =	vst v63  }
0x7c: {  	_ = 	snop  }
0x7d: {  	[tilespmem:s7], [sflag:$0x2] =	stream.indirect_vreg.gather [hbm4b:s1+s3], $0x80, v3, vm0, $0xb8;
	[tilespmem:$0x10100] =	vst v63  }
0x7e: {  	v3 =	vld [tilespmem:$0x90];
	_ =	sdelay $0x4  }
0x7f: {  	v41 =	vshll.u32 v3, $0x1  }
0x80: {  	v3 =	vand.u32 $0x7, v3;
	v4 =	vand.u32 $0xFFFFFFF0, v41  }
0x81: {  	v3 =	vor.u32 v3, v4  }
0x82: {  	v4 =	vperm.xlane v3, v0;
	_ =	sdelay $0x1  }
0x83: {  	v3 =	vperm.xlane v3, v2;
	v4 =	vadd.s32 v1, v4;
	_ =	sdelay $0x1  }
0x84: {  	v3 =	vadd.s32 v1, v3;
	_ =	sdelay $0x2  }
0x85: {  	[tilespmem:s8], [sflag:$0x2] =	stream.indirect_vreg.gather [hbm4b:s1+s3], $0x80, v4, vm0, $0xb8;
	[tilespmem:$0x10100] =	vst v63  }
0x86: {  	_ = 	snop  }
0x87: {  	[tilespmem:s9], [sflag:$0x2] =	stream.indirect_vreg.gather [hbm4b:s1+s3], $0x80, v3, vm0, $0xb8;
	[tilespmem:$0x10100] =	vst v63  }
0x88: {  	v3 =	vld [tilespmem:$0xA0];
	_ =	sdelay $0x4  }
0x89: {  	v42 =	vshll.u32 v3, $0x1  }
0x8a: {  	v3 =	vand.u32 $0x7, v3;
	v4 =	vand.u32 $0xFFFFFFF0, v42  }
0x8b: {  	v3 =	vor.u32 v3, v4  }
0x8c: {  	v4 =	vperm.xlane v3, v0;
	_ =	sdelay $0x1  }
0x8d: {  	v3 =	vperm.xlane v3, v2;
	v4 =	vadd.s32 v1, v4;
	_ =	sdelay $0x1  }
0x8e: {  	v3 =	vadd.s32 v1, v3;
	_ =	sdelay $0x2  }
0x8f: {  	[tilespmem:s10], [sflag:$0x2] =	stream.indirect_vreg.gather [hbm4b:s1+s3], $0x80, v4, vm0, $0xb8;
	[tilespmem:$0x10100] =	vst v63  }
0x90: {  	_ = 	snop  }
0x91: {  	[tilespmem:s11], [sflag:$0x2] =	stream.indirect_vreg.gather [hbm4b:s1+s3], $0x80, v3, vm0, $0xb8;
	[tilespmem:$0x10100] =	vst v63  }
0x92: {  	v3 =	vld [tilespmem:$0xB0];
	_ =	sdelay $0x4  }
0x93: {  	v43 =	vshll.u32 v3, $0x1  }
0x94: {  	v3 =	vand.u32 $0x7, v3;
	v4 =	vand.u32 $0xFFFFFFF0, v43  }
0x95: {  	v3 =	vor.u32 v3, v4  }
0x96: {  	v4 =	vperm.xlane v3, v0;
	_ =	sdelay $0x1  }
0x97: {  	v3 =	vperm.xlane v3, v2;
	v4 =	vadd.s32 v1, v4;
	_ =	sdelay $0x1  }
0x98: {  	v3 =	vadd.s32 v1, v3;
	_ =	sdelay $0x2  }
0x99: {  	[tilespmem:s12], [sflag:$0x2] =	stream.indirect_vreg.gather [hbm4b:s1+s3], $0x80, v4, vm0, $0xb8;
	[tilespmem:$0x10100] =	vst v63  }
0x9a: {  	s13 =	simm.s32 $0xB900  }
0x9b: {  	[tilespmem:s13], [sflag:$0x2] =	stream.indirect_vreg.gather [hbm4b:s1+s3], $0x80, v3, vm0, $0xb8;
	[tilespmem:$0x10100] =	vst v63  }
0x9c: {  	v3 =	vld [tilespmem:$0xC0];
	_ =	sdelay $0x4  }
0x9d: {  	v44 =	vshll.u32 v3, $0x1  }
0x9e: {  	v3 =	vand.u32 $0x7, v3;
	v4 =	vand.u32 $0xFFFFFFF0, v44  }
0x9f: {  	v3 =	vor.u32 v3, v4  }
0xa0: {  	v4 =	vperm.xlane v3, v0;
	_ =	sdelay $0x1  }
0xa1: {  	v3 =	vperm.xlane v3, v2;
	v4 =	vadd.s32 v1, v4;
	_ =	sdelay $0x1  }
0xa2: {  	v3 =	vadd.s32 v1, v3;
	_ =	sdelay $0x1  }
0xa3: {  	s15 =	simm.s32 $0xC100  }
0xa4: {  	[tilespmem:s15], [sflag:$0x2] =	stream.indirect_vreg.gather [hbm4b:s1+s3], $0x80, v4, vm0, $0xb8;
	[tilespmem:$0x10100] =	vst v63  }
0xa5: {  	s15 =	simm.s32 $0xC900  }
0xa6: {  	[tilespmem:s15], [sflag:$0x2] =	stream.indirect_vreg.gather [hbm4b:s1+s3], $0x80, v3, vm0, $0xb8;
	[tilespmem:$0x10100] =	vst v63  }
0xa7: {  	v3 =	vld [tilespmem:$0xD0];
	_ =	sdelay $0x4  }
0xa8: {  	v45 =	vshll.u32 v3, $0x1  }
0xa9: {  	v3 =	vand.u32 $0x7, v3;
	v4 =	vand.u32 $0xFFFFFFF0, v45  }
0xaa: {  	v3 =	vor.u32 v3, v4  }
0xab: {  	v4 =	vperm.xlane v3, v0;
	_ =	sdelay $0x1  }
0xac: {  	v3 =	vperm.xlane v3, v2;
	v4 =	vadd.s32 v1, v4;
	_ =	sdelay $0x1  }
0xad: {  	v3 =	vadd.s32 v1, v3;
	_ =	sdelay $0x1  }
0xae: {  	s15 =	simm.s32 $0xD100  }
0xaf: {  	[tilespmem:s15], [sflag:$0x2] =	stream.indirect_vreg.gather [hbm4b:s1+s3], $0x80, v4, vm0, $0xb8;
	[tilespmem:$0x10100] =	vst v63  }
0xb0: {  	s15 =	simm.s32 $0xD900  }
0xb1: {  	[tilespmem:s15], [sflag:$0x2] =	stream.indirect_vreg.gather [hbm4b:s1+s3], $0x80, v3, vm0, $0xb8;
	[tilespmem:$0x10100] =	vst v63  }
0xb2: {  	v3 =	vld [tilespmem:$0xE0];
	_ =	sdelay $0x4  }
0xb3: {  	v46 =	vshll.u32 v3, $0x1  }
0xb4: {  	v3 =	vand.u32 $0x7, v3;
	v4 =	vand.u32 $0xFFFFFFF0, v46  }
0xb5: {  	v3 =	vor.u32 v3, v4  }
0xb6: {  	v4 =	vperm.xlane v3, v0;
	_ =	sdelay $0x1  }
0xb7: {  	v3 =	vperm.xlane v3, v2;
	v4 =	vadd.s32 v1, v4;
	_ =	sdelay $0x1  }
0xb8: {  	v3 =	vadd.s32 v1, v3;
	_ =	sdelay $0x1  }
0xb9: {  	s15 =	simm.s32 $0xE100  }
0xba: {  	[tilespmem:s15], [sflag:$0x2] =	stream.indirect_vreg.gather [hbm4b:s1+s3], $0x80, v4, vm0, $0xb8;
	[tilespmem:$0x10100] =	vst v63  }
0xbb: {  	s15 =	simm.s32 $0xE900  }
0xbc: {  	[tilespmem:s15], [sflag:$0x2] =	stream.indirect_vreg.gather [hbm4b:s1+s3], $0x80, v3, vm0, $0xb8;
	[tilespmem:$0x10100] =	vst v63  }
0xbd: {  	v3 =	vld [tilespmem:$0xF0];
	_ =	sdelay $0x4  }
0xbe: {  	v47 =	vshll.u32 v3, $0x1  }
0xbf: {  	v3 =	vand.u32 $0x7, v3;
	v4 =	vand.u32 $0xFFFFFFF0, v47  }
0xc0: {  	v3 =	vor.u32 v3, v4  }
0xc1: {  	v4 =	vperm.xlane v3, v0;
	_ =	sdelay $0x1  }
0xc2: {  	v3 =	vperm.xlane v3, v2;
	v4 =	vadd.s32 v1, v4;
	_ =	sdelay $0x1  }
0xc3: {  	v3 =	vadd.s32 v1, v3;
	_ =	sdelay $0x1  }
0xc4: {  	s15 =	simm.s32 $0xF100  }
0xc5: {  	[tilespmem:s15], [sflag:$0x2] =	stream.indirect_vreg.gather [hbm4b:s1+s3], $0x80, v4, vm0, $0xb8;
	[tilespmem:$0x10100] =	vst v63  }
0xc6: {  	s15 =	simm.s32 $0xF900  }
0xc7: {  	[tilespmem:s15], [sflag:$0x2] =	stream.indirect_vreg.gather [hbm4b:s1+s3], $0x80, v3, vm0, $0xb8;
	[tilespmem:$0x10100] =	vst v63  }
0xc8: {  	_ =	swait.ge [sflag:s6], $0x8000  }
0xc9: {  	[sflag:s6] =	ssyncset.done $0x0  }
0xca: {  	s13 =	simm.s32 $0x100;
	s15 =	rddreg [dreg:$0x5];
	[sflag:s6] =	ssyncadd.s32 $0xFFFF8000  }
0xcb: {  	[hbm4b:s15+s3] =	stream.linear.scatter [tilespmem:s13], [sflag:$0x3], $0x8000, $0x38;
	[tilespmem:$0x10100] =	vst v63  }
0xcc: {  	_ =	swait.ge [sflag:s5], $0x8000  }
0xcd: {  	[sflag:s5] =	ssyncset.done $0x0  }
0xce: {  	s15 =	rddreg [dreg:$0x6];
	[sflag:s5] =	ssyncadd.s32 $0xFFFF8000  }
0xcf: {  	[tilespmem:s3], [sflag:$0x3] =	stream.linear.gather [hbm4b:s15+s3], $0x80, $0x38;
	[tilespmem:$0x10100] =	vst v63  }
0xd0: {  	_ =	swait.ge [sflag:s5], $0x80  }
0xd1: {  	[sflag:s5] =	ssyncset.done $0x0  }
0xd2: {  	[sflag:s5] =	ssyncadd.s32 $0xFFFFFF80  }
0xd3: {  	v3 =	vld [tilespmem:$0x0];
	_ =	sdelay $0x4  }
0xd4: {  	v48 =	vshll.u32 v3, $0x1  }
0xd5: {  	v3 =	vand.u32 $0x7, v3;
	v4 =	vand.u32 $0xFFFFFFF0, v48  }
0xd6: {  	v3 =	vor.u32 v3, v4  }
0xd7: {  	v4 =	vperm.xlane v3, v0;
	_ =	sdelay $0x1  }
0xd8: {  	v3 =	vperm.xlane v3, v2;
	v4 =	vadd.s32 v1, v4;
	_ =	sdelay $0x1  }
0xd9: {  	v3 =	vadd.s32 v1, v3;
	_ =	sdelay $0x2  }
0xda: {  	[tilespmem:s13], [sflag:$0x1] =	stream.indirect_vreg.gather [hbm4b:s1+s3], $0x80, v4, vm0, $0xb8;
	[tilespmem:$0x10100] =	vst v63  }
0xdb: {  	_ = 	snop  }
0xdc: {  	[tilespmem:s16], [sflag:$0x1] =	stream.indirect_vreg.gather [hbm4b:s1+s3], $0x80, v3, vm0, $0xb8;
	[tilespmem:$0x10100] =	vst v63  }
0xdd: {  	v3 =	vld [tilespmem:$0x10];
	_ =	sdelay $0x4  }
0xde: {  	v49 =	vshll.u32 v3, $0x1  }
0xdf: {  	v3 =	vand.u32 $0x7, v3;
	v4 =	vand.u32 $0xFFFFFFF0, v49  }
0xe0: {  	v3 =	vor.u32 v3, v4  }
0xe1: {  	v4 =	vperm.xlane v3, v0;
	_ =	sdelay $0x1  }
0xe2: {  	v3 =	vperm.xlane v3, v2;
	v4 =	vadd.s32 v1, v4;
	_ =	sdelay $0x1  }
0xe3: {  	v3 =	vadd.s32 v1, v3;
	_ =	sdelay $0x2  }
0xe4: {  	[tilespmem:s17], [sflag:$0x1] =	stream.indirect_vreg.gather [hbm4b:s1+s3], $0x80, v4, vm0, $0xb8;
	[tilespmem:$0x10100] =	vst v63  }
0xe5: {  	_ = 	snop  }
0xe6: {  	[tilespmem:s18], [sflag:$0x1] =	stream.indirect_vreg.gather [hbm4b:s1+s3], $0x80, v3, vm0, $0xb8;
	[tilespmem:$0x10100] =	vst v63  }
0xe7: {  	v3 =	vld [tilespmem:$0x20];
	_ =	sdelay $0x4  }
0xe8: {  	v50 =	vshll.u32 v3, $0x1  }
0xe9: {  	v3 =	vand.u32 $0x7, v3;
	v4 =	vand.u32 $0xFFFFFFF0, v50  }
0xea: {  	v3 =	vor.u32 v3, v4  }
0xeb: {  	v4 =	vperm.xlane v3, v0;
	_ =	sdelay $0x1  }
0xec: {  	v3 =	vperm.xlane v3, v2;
	v4 =	vadd.s32 v1, v4;
	_ =	sdelay $0x1  }
0xed: {  	v3 =	vadd.s32 v1, v3;
	_ =	sdelay $0x2  }
0xee: {  	[tilespmem:s19], [sflag:$0x1] =	stream.indirect_vreg.gather [hbm4b:s1+s3], $0x80, v4, vm0, $0xb8;
	[tilespmem:$0x10100] =	vst v63  }
0xef: {  	_ = 	snop  }
0xf0: {  	[tilespmem:s20], [sflag:$0x1] =	stream.indirect_vreg.gather [hbm4b:s1+s3], $0x80, v3, vm0, $0xb8;
	[tilespmem:$0x10100] =	vst v63  }
0xf1: {  	v3 =	vld [tilespmem:$0x30];
	_ =	sdelay $0x4  }
0xf2: {  	v51 =	vshll.u32 v3, $0x1  }
0xf3: {  	v3 =	vand.u32 $0x7, v3;
	v4 =	vand.u32 $0xFFFFFFF0, v51  }
0xf4: {  	v3 =	vor.u32 v3, v4  }
0xf5: {  	v4 =	vperm.xlane v3, v0;
	_ =	sdelay $0x1  }
0xf6: {  	v3 =	vperm.xlane v3, v2;
	v4 =	vadd.s32 v1, v4;
	_ =	sdelay $0x1  }
0xf7: {  	v3 =	vadd.s32 v1, v3;
	_ =	sdelay $0x2  }
0xf8: {  	[tilespmem:s21], [sflag:$0x1] =	stream.indirect_vreg.gather [hbm4b:s1+s3], $0x80, v4, vm0, $0xb8;
	[tilespmem:$0x10100] =	vst v63  }
0xf9: {  	_ = 	snop  }
0xfa: {  	[tilespmem:s22], [sflag:$0x1] =	stream.indirect_vreg.gather [hbm4b:s1+s3], $0x80, v3, vm0, $0xb8;
	[tilespmem:$0x10100] =	vst v63  }
0xfb: {  	v3 =	vld [tilespmem:$0x40];
	_ =	sdelay $0x4  }
0xfc: {  	v52 =	vshll.u32 v3, $0x1  }
0xfd: {  	v3 =	vand.u32 $0x7, v3;
	v4 =	vand.u32 $0xFFFFFFF0, v52  }
0xfe: {  	v3 =	vor.u32 v3, v4  }
0xff: {  	v4 =	vperm.xlane v3, v0;
	_ =	sdelay $0x1  }
0x100: {  	v3 =	vperm.xlane v3, v2;
	v4 =	vadd.s32 v1, v4;
	_ =	sdelay $0x1  }
0x101: {  	v3 =	vadd.s32 v1, v3;
	_ =	sdelay $0x2  }
0x102: {  	[tilespmem:s24], [sflag:$0x1] =	stream.indirect_vreg.gather [hbm4b:s1+s3], $0x80, v4, vm0, $0xb8;
	[tilespmem:$0x10100] =	vst v63  }
0x103: {  	_ = 	snop  }
0x104: {  	[tilespmem:s25], [sflag:$0x1] =	stream.indirect_vreg.gather [hbm4b:s1+s3], $0x80, v3, vm0, $0xb8;
	[tilespmem:$0x10100] =	vst v63  }
0x105: {  	v3 =	vld [tilespmem:$0x50];
	_ =	sdelay $0x4  }
0x106: {  	v53 =	vshll.u32 v3, $0x1  }
0x107: {  	v3 =	vand.u32 $0x7, v3;
	v4 =	vand.u32 $0xFFFFFFF0, v53  }
0x108: {  	v3 =	vor.u32 v3, v4  }
0x109: {  	v4 =	vperm.xlane v3, v0;
	_ =	sdelay $0x1  }
0x10a: {  	v3 =	vperm.xlane v3, v2;
	v4 =	vadd.s32 v1, v4;
	_ =	sdelay $0x1  }
0x10b: {  	v3 =	vadd.s32 v1, v3;
	_ =	sdelay $0x2  }
0x10c: {  	[tilespmem:s26], [sflag:$0x1] =	stream.indirect_vreg.gather [hbm4b:s1+s3], $0x80, v4, vm0, $0xb8;
	[tilespmem:$0x10100] =	vst v63  }
0x10d: {  	_ = 	snop  }
0x10e: {  	[tilespmem:s28], [sflag:$0x1] =	stream.indirect_vreg.gather [hbm4b:s1+s3], $0x80, v3, vm0, $0xb8;
	[tilespmem:$0x10100] =	vst v63  }
0x10f: {  	v3 =	vld [tilespmem:$0x60];
	_ =	sdelay $0x4  }
0x110: {  	v54 =	vshll.u32 v3, $0x1  }
0x111: {  	v3 =	vand.u32 $0x7, v3;
	v4 =	vand.u32 $0xFFFFFFF0, v54  }
0x112: {  	v3 =	vor.u32 v3, v4  }
0x113: {  	v4 =	vperm.xlane v3, v0;
	_ =	sdelay $0x1  }
0x114: {  	v3 =	vperm.xlane v3, v2;
	v4 =	vadd.s32 v1, v4;
	_ =	sdelay $0x1  }
0x115: {  	v3 =	vadd.s32 v1, v3;
	_ =	sdelay $0x2  }
0x116: {  	[tilespmem:s29], [sflag:$0x1] =	stream.indirect_vreg.gather [hbm4b:s1+s3], $0x80, v4, vm0, $0xb8;
	[tilespmem:$0x10100] =	vst v63  }
0x117: {  	_ = 	snop  }
0x118: {  	[tilespmem:s30], [sflag:$0x1] =	stream.indirect_vreg.gather [hbm4b:s1+s3], $0x80, v3, vm0, $0xb8;
	[tilespmem:$0x10100] =	vst v63  }
0x119: {  	v3 =	vld [tilespmem:$0x70];
	_ =	sdelay $0x4  }
0x11a: {  	v55 =	vshll.u32 v3, $0x1  }
0x11b: {  	v3 =	vand.u32 $0x7, v3;
	v4 =	vand.u32 $0xFFFFFFF0, v55  }
0x11c: {  	v3 =	vor.u32 v3, v4  }
0x11d: {  	v4 =	vperm.xlane v3, v0;
	_ =	sdelay $0x1  }
0x11e: {  	v3 =	vperm.xlane v3, v2;
	v4 =	vadd.s32 v1, v4;
	_ =	sdelay $0x1  }
0x11f: {  	v3 =	vadd.s32 v1, v3;
	_ =	sdelay $0x2  }
0x120: {  	[tilespmem:s31], [sflag:$0x1] =	stream.indirect_vreg.gather [hbm4b:s1+s3], $0x80, v4, vm0, $0xb8;
	[tilespmem:$0x10100] =	vst v63  }
0x121: {  	_ = 	snop  }
0x122: {  	[tilespmem:s2], [sflag:$0x1] =	stream.indirect_vreg.gather [hbm4b:s1+s3], $0x80, v3, vm0, $0xb8;
	[tilespmem:$0x10100] =	vst v63  }
0x123: {  	_ =	swait.ge [sflag:s14], $0x8000  }
0x124: {  	[sflag:s14] =	ssyncset.done $0x0  }
0x125: {  	s2 =	rddreg [dreg:$0x7];
	[sflag:s14] =	ssyncadd.s32 $0xFFFF8000  }
0x126: {  	[hbm4b:s2+s3] =	stream.linear.scatter [tilespmem:s0], [sflag:$0x3], $0x8000, $0x38;
	[tilespmem:$0x10100] =	vst v63  }
0x127: {  	_ =	swait.ge [sflag:s5], $0x8000  }
0x128: {  	[sflag:s5] =	ssyncset.done $0x0  }
0x129: {  	s2 =	rddreg [dreg:$0x8];
	[sflag:s5] =	ssyncadd.s32 $0xFFFF8000  }
0x12a: {  	[tilespmem:s23], [sflag:$0x3] =	stream.linear.gather [hbm4b:s2+s3], $0x80, $0x38;
	[tilespmem:$0x10100] =	vst v63  }
0x12b: {  	_ =	swait.ge [sflag:s5], $0x80  }
0x12c: {  	[sflag:s5] =	ssyncset.done $0x0  }
0x12d: {  	[sflag:s5] =	ssyncadd.s32 $0xFFFFFF80  }
0x12e: {  	v3 =	vld [tilespmem:$0x80];
	_ =	sdelay $0x4  }
0x12f: {  	v56 =	vshll.u32 v3, $0x1  }
0x130: {  	v3 =	vand.u32 $0x7, v3;
	v4 =	vand.u32 $0xFFFFFFF0, v56  }
0x131: {  	v3 =	vor.u32 v3, v4  }
0x132: {  	v4 =	vperm.xlane v3, v0;
	_ =	sdelay $0x1  }
0x133: {  	v3 =	vperm.xlane v3, v2;
	v4 =	vadd.s32 v1, v4;
	_ =	sdelay $0x1  }
0x134: {  	v3 =	vadd.s32 v1, v3;
	_ =	sdelay $0x2  }
0x135: {  	[tilespmem:s0], [sflag:$0x2] =	stream.indirect_vreg.gather [hbm4b:s1+s3], $0x80, v4, vm0, $0xb8;
	[tilespmem:$0x10100] =	vst v63  }
0x136: {  	_ = 	snop  }
0x137: {  	[tilespmem:s7], [sflag:$0x2] =	stream.indirect_vreg.gather [hbm4b:s1+s3], $0x80, v3, vm0, $0xb8;
	[tilespmem:$0x10100] =	vst v63  }
0x138: {  	v3 =	vld [tilespmem:$0x90];
	_ =	sdelay $0x4  }
0x139: {  	v57 =	vshll.u32 v3, $0x1  }
0x13a: {  	v3 =	vand.u32 $0x7, v3;
	v4 =	vand.u32 $0xFFFFFFF0, v57  }
0x13b: {  	v3 =	vor.u32 v3, v4  }
0x13c: {  	v4 =	vperm.xlane v3, v0;
	_ =	sdelay $0x1  }
0x13d: {  	v3 =	vperm.xlane v3, v2;
	v4 =	vadd.s32 v1, v4;
	_ =	sdelay $0x1  }
0x13e: {  	v3 =	vadd.s32 v1, v3;
	_ =	sdelay $0x2  }
0x13f: {  	[tilespmem:s8], [sflag:$0x2] =	stream.indirect_vreg.gather [hbm4b:s1+s3], $0x80, v4, vm0, $0xb8;
	[tilespmem:$0x10100] =	vst v63  }
0x140: {  	_ = 	snop  }
0x141: {  	[tilespmem:s9], [sflag:$0x2] =	stream.indirect_vreg.gather [hbm4b:s1+s3], $0x80, v3, vm0, $0xb8;
	[tilespmem:$0x10100] =	vst v63  }
0x142: {  	v3 =	vld [tilespmem:$0xA0];
	_ =	sdelay $0x4  }
0x143: {  	v58 =	vshll.u32 v3, $0x1  }
0x144: {  	v3 =	vand.u32 $0x7, v3;
	v4 =	vand.u32 $0xFFFFFFF0, v58  }
0x145: {  	v3 =	vor.u32 v3, v4  }
0x146: {  	v4 =	vperm.xlane v3, v0;
	_ =	sdelay $0x1  }
0x147: {  	v3 =	vperm.xlane v3, v2;
	v4 =	vadd.s32 v1, v4;
	_ =	sdelay $0x1  }
0x148: {  	v3 =	vadd.s32 v1, v3;
	_ =	sdelay $0x2  }
0x149: {  	[tilespmem:s10], [sflag:$0x2] =	stream.indirect_vreg.gather [hbm4b:s1+s3], $0x80, v4, vm0, $0xb8;
	[tilespmem:$0x10100] =	vst v63  }
0x14a: {  	_ = 	snop  }
0x14b: {  	[tilespmem:s11], [sflag:$0x2] =	stream.indirect_vreg.gather [hbm4b:s1+s3], $0x80, v3, vm0, $0xb8;
	[tilespmem:$0x10100] =	vst v63  }
0x14c: {  	v3 =	vld [tilespmem:$0xB0];
	_ =	sdelay $0x4  }
0x14d: {  	v59 =	vshll.u32 v3, $0x1  }
0x14e: {  	v3 =	vand.u32 $0x7, v3;
	v4 =	vand.u32 $0xFFFFFFF0, v59  }
0x14f: {  	v3 =	vor.u32 v3, v4  }
0x150: {  	v4 =	vperm.xlane v3, v0;
	_ =	sdelay $0x1  }
0x151: {  	v3 =	vperm.xlane v3, v2;
	v4 =	vadd.s32 v1, v4;
	_ =	sdelay $0x1  }
0x152: {  	v3 =	vadd.s32 v1, v3;
	_ =	sdelay $0x2  }
0x153: {  	[tilespmem:s12], [sflag:$0x2] =	stream.indirect_vreg.gather [hbm4b:s1+s3], $0x80, v4, vm0, $0xb8;
	[tilespmem:$0x10100] =	vst v63  }
0x154: {  	s15 =	simm.s32 $0xB900  }
0x155: {  	[tilespmem:s15], [sflag:$0x2] =	stream.indirect_vreg.gather [hbm4b:s1+s3], $0x80, v3, vm0, $0xb8;
	[tilespmem:$0x10100] =	vst v63  }
0x156: {  	v3 =	vld [tilespmem:$0xC0];
	_ =	sdelay $0x4  }
0x157: {  	v60 =	vshll.u32 v3, $0x1  }
0x158: {  	v3 =	vand.u32 $0x7, v3;
	v4 =	vand.u32 $0xFFFFFFF0, v60  }
0x159: {  	v3 =	vor.u32 v3, v4  }
0x15a: {  	v4 =	vperm.xlane v3, v0;
	_ =	sdelay $0x1  }
0x15b: {  	v3 =	vperm.xlane v3, v2;
	v4 =	vadd.s32 v1, v4;
	_ =	sdelay $0x1  }
0x15c: {  	v3 =	vadd.s32 v1, v3;
	_ =	sdelay $0x1  }
0x15d: {  	s15 =	simm.s32 $0xC100  }
0x15e: {  	[tilespmem:s15], [sflag:$0x2] =	stream.indirect_vreg.gather [hbm4b:s1+s3], $0x80, v4, vm0, $0xb8;
	[tilespmem:$0x10100] =	vst v63  }
0x15f: {  	s15 =	simm.s32 $0xC900  }
0x160: {  	[tilespmem:s15], [sflag:$0x2] =	stream.indirect_vreg.gather [hbm4b:s1+s3], $0x80, v3, vm0, $0xb8;
	[tilespmem:$0x10100] =	vst v63  }
0x161: {  	v3 =	vld [tilespmem:$0xD0];
	_ =	sdelay $0x4  }
0x162: {  	v61 =	vshll.u32 v3, $0x1  }
0x163: {  	v3 =	vand.u32 $0x7, v3;
	v4 =	vand.u32 $0xFFFFFFF0, v61  }
0x164: {  	v3 =	vor.u32 v3, v4  }
0x165: {  	v4 =	vperm.xlane v3, v0;
	_ =	sdelay $0x1  }
0x166: {  	v3 =	vperm.xlane v3, v2;
	v4 =	vadd.s32 v1, v4;
	_ =	sdelay $0x1  }
0x167: {  	v3 =	vadd.s32 v1, v3;
	_ =	sdelay $0x1  }
0x168: {  	s15 =	simm.s32 $0xD100  }
0x169: {  	[tilespmem:s15], [sflag:$0x2] =	stream.indirect_vreg.gather [hbm4b:s1+s3], $0x80, v4, vm0, $0xb8;
	[tilespmem:$0x10100] =	vst v63  }
0x16a: {  	s15 =	simm.s32 $0xD900  }
0x16b: {  	[tilespmem:s15], [sflag:$0x2] =	stream.indirect_vreg.gather [hbm4b:s1+s3], $0x80, v3, vm0, $0xb8;
	[tilespmem:$0x10100] =	vst v63  }
0x16c: {  	v3 =	vld [tilespmem:$0xE0];
	_ =	sdelay $0x4  }
0x16d: {  	v62 =	vshll.u32 v3, $0x1  }
0x16e: {  	v3 =	vand.u32 $0x7, v3;
	v4 =	vand.u32 $0xFFFFFFF0, v62  }
0x16f: {  	v3 =	vor.u32 v3, v4  }
0x170: {  	v4 =	vperm.xlane v3, v0;
	_ =	sdelay $0x1  }
0x171: {  	v3 =	vperm.xlane v3, v2;
	v4 =	vadd.s32 v1, v4;
	_ =	sdelay $0x1  }
0x172: {  	v3 =	vadd.s32 v1, v3;
	_ =	sdelay $0x1  }
0x173: {  	s15 =	simm.s32 $0xE100  }
0x174: {  	[tilespmem:s15], [sflag:$0x2] =	stream.indirect_vreg.gather [hbm4b:s1+s3], $0x80, v4, vm0, $0xb8;
	[tilespmem:$0x10100] =	vst v63  }
0x175: {  	s15 =	simm.s32 $0xE900  }
0x176: {  	[tilespmem:s15], [sflag:$0x2] =	stream.indirect_vreg.gather [hbm4b:s1+s3], $0x80, v3, vm0, $0xb8;
	[tilespmem:$0x10100] =	vst v63  }
0x177: {  	v3 =	vld [tilespmem:$0xF0];
	_ =	sdelay $0x4  }
0x178: {  	v63 =	vshll.u32 v3, $0x1  }
0x179: {  	v3 =	vand.u32 $0x7, v3;
	v4 =	vand.u32 $0xFFFFFFF0, v63  }
0x17a: {  	v3 =	vor.u32 v3, v4  }
0x17b: {  	v4 =	vperm.xlane v3, v0;
	_ =	sdelay $0x1  }
0x17c: {  	v3 =	vperm.xlane v3, v2;
	v4 =	vadd.s32 v1, v4;
	_ =	sdelay $0x1  }
0x17d: {  	v3 =	vadd.s32 v1, v3;
	_ =	sdelay $0x1  }
0x17e: {  	s15 =	simm.s32 $0xF100  }
0x17f: {  	[tilespmem:s15], [sflag:$0x2] =	stream.indirect_vreg.gather [hbm4b:s1+s3], $0x80, v4, vm0, $0xb8;
	[tilespmem:$0x10100] =	vst v63  }
0x180: {  	s15 =	simm.s32 $0xF900  }
0x181: {  	[tilespmem:s15], [sflag:$0x2] =	stream.indirect_vreg.gather [hbm4b:s1+s3], $0x80, v3, vm0, $0xb8;
	[tilespmem:$0x10100] =	vst v63  }
0x182: {  	_ =	swait.ge [sflag:s6], $0x8000  }
0x183: {  	[sflag:s6] =	ssyncset.done $0x0  }
0x184: {  	s13 =	simm.s32 $0x100;
	s2 =	rddreg [dreg:$0x9];
	[sflag:s6] =	ssyncadd.s32 $0xFFFF8000  }
0x185: {  	[hbm4b:s2+s3] =	stream.linear.scatter [tilespmem:s13], [sflag:$0x3], $0x8000, $0x38;
	[tilespmem:$0x10100] =	vst v63  }
0x186: {  	_ =	swait.ge [sflag:s5], $0x8000  }
0x187: {  	[sflag:s5] =	ssyncset.done $0x0  }
0x188: {  	[sflag:s5] =	ssyncadd.s32 $0xFFFF8000  }
0x189: {  	_ =	swait.ge [sflag:s14], $0x8000  }
0x18a: {  	p0 =	sne.s32 s4, $0x1;
	[sflag:s14] =	ssyncset.done $0x0  }
.Ltmp0:
0x18b: {  	s13 =	rddreg [dreg:$0xa];
	[sflag:s14] =	ssyncadd.s32 $0xFFFF8000;
	(pc) =	sbr.rel @p0 .LBB2_1-.Ltmp0, $4  }
0x18c: {  	[hbm4b:s13+s3] =	stream.linear.scatter [tilespmem:s0], [sflag:$0x3], $0x8000, $0x38;
	[tilespmem:$0x10100] =	vst v63  }
0x18d: {  	_ =	swait.ge [sflag:s5], $0x8000  }
0x18e: {  	[sflag:s5] =	ssyncset.done $0x0  }
0x18f: {  	s4 =	sadd.s32 $0xFFFFFFFF, s4;
	[sflag:s5] =	ssyncadd.s32 $0xFFFF8000  }
0x190: {  	_ =	sfence.sel $0x180000  }
0x191: {  	[bflag:$0x0] =	sbarrier.arrive $0xFFFF  }
0x192: {  	_ =	strace $0x9000004A  }
0x193: {  	s0 =	stileid.u32;
	[bflag:$0x2] =	sbarrier.arrive $0xFFFF  }
0x194: {  	p0 =	sne.s32 s0, $0x0;
	s0 =	rddreg [dreg:$0x2]  }
0x195: {  	s0 =	sadd.s32 @!p0 $0x100000, s0  }
0x196: {  	[sflag:s0] =	ssyncadd.tile.s32 @!p0 $0x1;
	_ =	shalt  }
.Lfunc_end2:
_tile_overlayer_lowered:
.L_overlay_start_2:
0x197: {  	(tag) =	ssettag $0x2  }
0x198: {  	s0 =	rddreg [dreg:$0x0];
	s2 =	stileid.u32  }
0x199: {  	s1 =	rddreg [dreg:$0x1];
	p0 =	sne.s32 s2, $0x0  }
0x19a: {  	s3 =	rddreg [dreg:$0x2];
	[bflag:$0x3] =	sbarrier.arrive $0xFFFF;
	s2 =	simm.s32 @!p0 $0x1C03  }
0x19b: {  	[timem:s3], [sflag:s2] =	dma.local @!p0 [hbm:s0], s1  }
0x19c: {  	s0 =	simm.s32 @!p0 $0x3  }
0x19d: {  	_ =	swait.ge @!p0 [sflag:s0], s1  }
0x19e: {  	s1 =	ssub.s32 @!p0 $0x0, s1;
	[sflag:s0] =	ssyncset.done @!p0 $0x0  }
0x19f: {  	[sflag:s0] =	ssyncadd.s32 @!p0 s1  }
0x1a0: {  	[bflag:$0x3] =	sbarrier.arrive $0xFFFF  }
0x1a1: {  	_ =	shalt  }

// kernel: scatter_offload_async_start
scs
__scs_entry_jumppad:
0x0: {  	(pc) =	sbr.rel $0x88, $3  }
0x1: {  	(tag) =	ssettag $0x0;
	lr =	simm.s32 $0x1  }
0x2: {  	[smem:$0x3F9F] =	sst lr;
	_ =	strace $0xD0000000  }
0x3: {  	_ = 	snop  }
0x4: {  	_ = 	snop  }
0x5: {  	_ = 	snop  }
0x6: {  	_ = 	snop  }
0x7: {  	_ = 	snop  }
__scs_overlays_trampoline_lowered:
0x8: {  	[smem:$0x3FAE] =	sst s0  }
0x9: {  	[smem:$0x3FAF] =	sst s1  }
0xa: {  	[smem:$0x3FB0] =	sst s2  }
0xb: {  	[smem:$0x3FB1] =	sst s3  }
0xc: {  	[smem:$0x3FB2] =	sst s4  }
0xd: {  	[smem:$0x3FB3] =	sst s5  }
0xe: {  	[smem:$0x3FB4] =	sst s6  }
0xf: {  	[smem:$0x3FB5] =	sst s7  }
0x10: {  	[smem:$0x3FB6] =	sst s8  }
0x11: {  	[smem:$0x3FB7] =	sst s9;
	s0 =	simm.s32 @!p0 $0x0  }
0x12: {  	s1 =	sld [smem:$0x3F9D];
	s0 =	simm.s32 @p0 $0x1  }
0x13: {  	[smem:$0x3FB8] =	sst s0;
	s0 =	simm.s32 @!p1 $0x0  }
0x14: {  	s2 =	sld [smem:$0x3F9C];
	s0 =	simm.s32 @p1 $0x1  }
0x15: {  	[smem:$0x3FB9] =	sst s0;
	s0 =	simm.s32 @!p2 $0x0  }
0x16: {  	s3 =	sld [smem:$0x3FDB];
	s0 =	simm.s32 @p2 $0x1  }
0x17: {  	s4 =	simm.s32 $0x1BF5;
	[smem:$0x3FBB] =	sst s0  }
0x18: {  	s0 =	sld [smem:$0x3F9E];
	_ =	swait.ge [sflag:s4], $0x0  }
0x19: {  	s7 =	sld [smem:$0x3F9F]  }
0x1a: {  	s8 =	sadd.s32 $0xFFFFE003, lr  }
0x1b: {  	s9 =	sadd.s32 $0xFFFFFEF7, lr;
	s5 =	simm.s32 $0xFFFFFFFF;
	p2 =	slt.u32 s8, $0xFFFFF086  }
0x1c: {  	p1 =	slt.u32 s9, $0xF7A;
	s5 =	simm.s32 @!p2 $0x0  }
0x1d: {  	s5 =	simm.s32 @p1 $0x1;
	p0 =	seq.s32 s7, s2  }
0x1e: {  	s7 =	smul.u32 @!p0 $0xF7A, s2;
	p2 =	seq.s32 @!p0 s5, $0x0  }
0x1f: {  	s9 =	smul.u32 $0xF7A, s1;
	s8 =	simm.s32 @!p0 $0x1BF5;
	p2 =	por !p2, p0  }
0x20: {  	[sflag:s8] =	ssyncset.s32 @!p0 $0xFFFFF086;
	s6 =	sadd.s32 @!p0 s3, s7;
	s7 =	simm.s32 @!p0 $0x108  }
0x21: {  	s3 =	sadd.s32 s3, s9;
	s6 =	sadd.s32 @!p0 $0x88, s6;
	s7 =	simm.s32 @p2 $0x1082  }
0x22: {  	[simem:s7], [sflag:s8] =	dma.local @!p0 [hbm:s6], $0xF7A  }
0x23: {  	s9 =	sor.u32 $0xD0000000, s2;
	s6 =	simm.s32 $0x108;
	_ =	swait.ge @!p0 [sflag:s8], $0x0  }
0x24: {  	s3 =	sadd.s32 $0x88, s3;
	s6 =	simm.s32 @!p1 $0x1082;
	[sflag:s4] =	ssyncset.s32 $0xFFFFF086  }
0x25: {  	[simem:s6], [sflag:s4] =	dma.local [hbm:s3], $0xF7A  }
0x26: {  	[smem:$0x3F9F] =	sst s1;
	(tag) =	ssettag s2;
	_ =	strace s9  }
0x27: {  	s1 =	sld [smem:$0x3FAF]  }
0x28: {  	s2 =	sld [smem:$0x3FB0]  }
0x29: {  	s4 =	sld [smem:$0x3FB2]  }
0x2a: {  	p0 =	seq.s32 s5, $0x0;
	s5 =	sld [smem:$0x3FB3]  }
0x2b: {  	s6 =	sld [smem:$0x3FB4]  }
0x2c: {  	s7 =	sld [smem:$0x3FB5]  }
0x2d: {  	s3 =	simm.s32 $0x108;
	s8 =	sld [smem:$0x3FB6]  }
0x2e: {  	s3 =	simm.s32 @!p0 $0x1082;
	s9 =	sld [smem:$0x3FB7]  }
0x2f: {  	lr =	sadd.s32 s0, s3;
	s0 =	sld [smem:$0x3FAE]  }
0x30: {  	s3 =	sld [smem:$0x3FB1]  }
0x31: {  	[smem:$0x3FBA] =	sst s10  }
0x32: {  	s10 =	sld [smem:$0x3FB8];
	_ =	sdelay $0x3  }
0x33: {  	p0 =	seq.s32 s10, $0x1;
	s10 =	sld [smem:$0x3FBA];
	_ =	sdelay $0x3  }
0x34: {  	[smem:$0x3FBA] =	sst s10  }
0x35: {  	s10 =	sld [smem:$0x3FB9];
	_ =	sdelay $0x3  }
0x36: {  	p1 =	seq.s32 s10, $0x1;
	s10 =	sld [smem:$0x3FBA];
	_ =	sdelay $0x3  }
0x37: {  	[smem:$0x3FBA] =	sst s10  }
0x38: {  	s10 =	sld [smem:$0x3FBB]  }
0x39: {  	_ = 	snop;
	(pc) =	sbr.ind lr, $3  }
0x3a: {  	_ = 	snop  }
0x3b: {  	_ = 	snop  }
0x3c: {  	p2 =	seq.s32 s10, $0x1;
	s10 =	sld [smem:$0x3FBA]  }
0x3d: {  	_ =	shalt  }
0x3e: {  	_ =	shalt  }
0x3f: {  	_ =	shalt  }
0x40: {  	_ =	shalt  }
0x41: {  	_ =	shalt  }
0x42: {  	_ =	shalt  }
0x43: {  	_ =	shalt  }
0x44: {  	_ =	shalt  }
0x45: {  	_ =	shalt  }
0x46: {  	_ =	shalt  }
0x47: {  	_ =	shalt  }
0x48: {  	_ =	shalt  }
0x49: {  	_ =	shalt  }
0x4a: {  	_ =	shalt  }
0x4b: {  	_ =	shalt  }
0x4c: {  	_ =	shalt  }
0x4d: {  	_ =	shalt  }
0x4e: {  	_ =	shalt  }
0x4f: {  	_ =	shalt  }
0x50: {  	_ =	shalt  }
0x51: {  	_ =	shalt  }
0x52: {  	_ =	shalt  }
0x53: {  	_ =	shalt  }
0x54: {  	_ =	shalt  }
0x55: {  	_ =	shalt  }
0x56: {  	_ =	shalt  }
0x57: {  	_ =	shalt  }
0x58: {  	_ =	shalt  }
0x59: {  	_ =	shalt  }
0x5a: {  	_ =	shalt  }
0x5b: {  	_ =	shalt  }
0x5c: {  	_ =	shalt  }
0x5d: {  	_ =	shalt  }
0x5e: {  	_ =	shalt  }
0x5f: {  	_ =	shalt  }
0x60: {  	_ =	shalt  }
0x61: {  	_ =	shalt  }
0x62: {  	_ =	shalt  }
0x63: {  	_ =	shalt  }
0x64: {  	_ =	shalt  }
0x65: {  	_ =	shalt  }
0x66: {  	_ =	shalt  }
0x67: {  	_ =	shalt  }
0x68: {  	_ =	shalt  }
0x69: {  	_ =	shalt  }
0x6a: {  	_ =	shalt  }
0x6b: {  	_ =	shalt  }
0x6c: {  	_ =	shalt  }
0x6d: {  	_ =	shalt  }
0x6e: {  	_ =	shalt  }
0x6f: {  	_ =	shalt  }
0x70: {  	_ =	shalt  }
0x71: {  	_ =	shalt  }
0x72: {  	_ =	shalt  }
0x73: {  	_ =	shalt  }
0x74: {  	_ =	shalt  }
0x75: {  	_ =	shalt  }
0x76: {  	_ =	shalt  }
0x77: {  	_ =	shalt  }
0x78: {  	_ =	shalt  }
0x79: {  	_ =	shalt  }
0x7a: {  	_ =	shalt  }
0x7b: {  	_ =	shalt  }
0x7c: {  	_ =	shalt  }
0x7d: {  	_ =	shalt  }
0x7e: {  	_ =	shalt  }
0x7f: {  	_ =	shalt  }
0x80: {  	_ =	shalt  }
0x81: {  	_ =	shalt  }
0x82: {  	_ =	shalt  }
0x83: {  	_ =	shalt  }
0x84: {  	_ =	shalt  }
0x85: {  	_ =	shalt  }
0x86: {  	_ =	shalt  }
0x87: {  	_ =	shalt  }
.Lfunc_end0:
.L_simem_size_0:
called_computation_lowered:
.L_overlay_start_0:
0x88: {  	s0 =	sld [smem:$0x3FD9]  }
0x89: {  	s1 =	sld [smem:$0x3FFE];
	_ =	sdelay $0x3  }
0x8a: {  	s0 =	sadd.s32 s1, s0  }
0x8b: {  	[smem:$0x3FC6] =	sst s0  }
0x8c: {  	_ = 	snop  }
0x8d: {  	(tm) =	ssettm $0x1  }
0x8e: {  	s15 =	sld [smem:$0x3FFB];
	_ =	sdelay $0x3  }
0x8f: {  	_ =	strace s15  }
0x90: {  	s0 =	sld [smem:$0x3FFC];
	_ =	sdelay $0x3  }
0x91: {  	_ =	strace s0  }
0x92: {  	s0 =	sld [smem:$0x3FFD];
	_ =	sdelay $0x3  }
0x93: {  	_ =	strace s0  }
0x94: {  	_ =	strace $0x8FFFFFFF  }
0x95: {  	s16 =	sld [smem:$0x3FDB];
	_ =	sdelay $0x1  }
0x96: {  	s17 =	simm.s32 $_scs_section_size  }
0x97: {  	s2 =	simm.s32 $_size__tile_overlayer_lowered;
	s3 =	simm.s32 $_tile_overlayer_lowered  }
0x98: {  	s20 =	simm.s32 $0x1BFF;
	s19 =	sshll.u32 s3, $0x1;
	s0 =	sadd.s32 s17, s16  }
0x99: {  	s4 =	simm.s32 $0x0;
	s18 =	sshll.u32 s2, $0x1;
	s2 =	sadd.s32 s19, s0  }
0x9a: {  	[timem:s4], [sflag:s20] =	dma.local [hbm:s2], s18  }
0x9b: {  	_ =	swait.ge [sflag:s20], s18  }
0x9c: {  	s1 =	ssub.s32 $0x0, s18;
	[sflag:s20] =	ssyncset.done $0x0  }
0x9d: {  	[sflag:s20] =	ssyncadd.s32 s1;
	_ =	sdelay $0x1  }
0x9e: {  	s21 =	simm.s32 $0x1B8B  }
0x9f: {  	_ =	swait.ge [sflag:s21], $0x1  }
0xa0: {  	[sflag:s21] =	ssyncset.done $0x0  }
0xa1: {  	s23 =	simm.s32 $0x1B8E;
	s22 =	sld [smem:$0x3FFE];
	[sflag:s21] =	ssyncadd.s32 $0xFFFFFFFF  }
0xa2: {  	s24 =	simm.s32 $execute0_lowered;
	[smem:$0x3FD2] =	sst s23  }
0xa3: {  	s2 =	sshll.u32 s24, $0x1;
	_ =	strace $0x80000046;
	[dreg:$0x1] =	wrdreg $0xFFFFFFFF  }
0xa4: {  	s25 =	simm.s32 $_size_execute0_lowered;
	s0 =	sadd.s32 s0, s2;
	[dreg:$0x0] =	wrdreg $0x0  }
0xa5: {  	s2 =	sshll.u32 s25, $0x1;
	[dreg:$0x2] =	wrdreg s0  }
0xa6: {  	[dreg:$0x3] =	wrdreg s2  }
0xa7: {  	[dreg:$0x4] =	wrdreg $0xC0  }
0xa8: {  	_ =	task [dreg:s4], $0x5FFFF  }
0xa9: {  	[dreg:$0x1] =	wrdreg $0xFFFFFFFF  }
0xaa: {  	[dreg:$0x0] =	wrdreg $0x60  }
0xab: {  	[dreg:$0x2] =	wrdreg s22  }
0xac: {  	[dreg:$0x3] =	wrdreg $0x9  }
0xad: {  	_ =	task.clear_ibuf [dreg:s4], $0x4FFFF;
	_ =	strace $0x90000046  }
0xae: {  	s26 =	simm.s32 $0x9;
	_ =	strace $0x80000048  }
0xaf: {  	_ =	swait.ge [sflag:s26], $0x1  }
0xb0: {  	[sflag:s26] =	ssyncadd.s32 $0xFFFFFFFF  }
0xb1: {  	_ =	strace $0x90000048  }
0xb2: {  	_ =	sfence  }
0xb3: {  	s28 =	sld [smem:$0x0];
	_ =	sdelay $0x1  }
0xb4: {  	s29 =	srdreg.scid  }
0xb5: {  	s30 =	sshll.u32 s29, $0xD;
	s31 =	sshrl.u32 s29, $0x2  }
0xb6: {  	s1 =	sand.u32 $0x1, s29;
	s2 =	sand.u32 $0x4000, s30;
	s0 =	sadd.s32 s31, s28  }
0xb7: {  	s1 =	sor.u32 s2, s1;
	s0 =	sshll.u32 s0, $0x11  }
0xb8: {  	s0 =	sor.u32 s0, s1  }
0xb9: {  	s0 =	sadd.s32 $0x8F2B, s0  }
0xba: {  	[sflag:s0] =	ssyncadd.remote.s32 $0x1  }
0xbb: {  	_ =	sfence.sel $0xFFFF  }
0xbc: {  	[dreg:$0x0] =	wrdreg $0xFFFFFFFF;
	(pc) =	sbr.abs _section_cstart, $3  }
0xbd: {  	[dreg:$0x1] =	wrdreg $0xFFFFFFFF  }
0xbe: {  	_ =	task.clear_ibuf [dreg:s4], $0x2FFFF;
	_ =	strace $0x9FFFFFFF  }
0xbf: {  	(tm) =	ssettm $0x7FFFFFFF  }
tec
execute0_lowered:
.L_overlay_start_1:
0x0: {  	(tag) =	ssettag $0x1  }
0x1: {  	s2 =	rddreg [dreg:$0x0]  }
0x2: {  	s0 =	rddreg [dreg:$0x1];
	_ =	strace $0x80000047;
	s3 =	stileid.u32  }
0x3: {  	s4 =	simm.s32 $0x3E;
	s1 =	sadd.s32 $0x41800, s2;
	p0 =	sne.s32 s3, $0x0  }
0x4: {  	[sflag:s4] =	ssyncpa.u1 $0x0;
	s5 =	simm.s32 @!p0 $0x1C3E;
	s6 =	simm.s32 @!p0 $0x0  }
0x5: {  	[spmem:s6], [sflag:s5] =	dma.local @!p0 [hbm:s1], $0x400  }
0x6: {  	s5 =	simm.s32 @!p0 $0x3E  }
0x7: {  	_ =	swait.ge @!p0 [sflag:s5], $0x400  }
0x8: {  	[sflag:s5] =	ssyncset.done @!p0 $0x0  }
0x9: {  	s26 =	simm.s32 $0x1;
	[sflag:s5] =	ssyncadd.s32 @!p0 $0xFFFFFC00  }
0xa: {  	s29 =	simm.s32 $0x2;
	s7 =	simm.s32 $0x600;
	[bflag:$0x0] =	sbarrier.arrive $0xFFFF  }
0xb: {  	s28 =	sadd.s32 $0x40800, s2;
	s30 =	sadd.s32 $0x41000, s2;
	[sflag:s4] =	ssyncpa.u1 $0x1  }
0xc: {  	s3 =	sshll.u32 s3, $0x7;
	s2 =	simm.s32 $0x0;
	[sflag:s26] =	ssyncpa.u1 $0x0  }
0xd: {  	s4 =	sadd.s32 s28, s3;
	(ifvalue) =	ssetifvalue $0x2000;
	[sflag:s29] =	ssyncpa.u1 $0x0  }
0xe: {  	[tilespmem:s7], [sflag:$0x2] =	stream.linear.gather [hbm4b:s4+s2], $0x400, $0x38;
	[tilespmem:$0x1200] =	vst v63  }
0xf: {  	s31 =	sadd.s32 s30, s3;
	s3 =	simm.s32 $0xE00  }
0x10: {  	[tilespmem:s3], [sflag:$0x2] =	stream.linear.gather [hbm4b:s31+s2], $0x400, $0x38;
	[tilespmem:$0x1200] =	vst v63  }
0x11: {  	_ =	swait.ge [sflag:s29], $0x800  }
0x12: {  	[sflag:s29] =	ssyncset.done $0x0  }
0x13: {  	[sflag:s29] =	ssyncadd.s32 $0xFFFFF800  }
0x14: {  	v0 =	vld.msk [tilespmem:s7+$0x0 ss:$0x1], $0xffff;
	_ =	sdelay $0x4  }
0x15: {  	v0 =	vmin.u32 v0, $0x2000;
	_ =	sdelay $0x3  }
0x16: {  	vm0 =	vmmov $0xffff;
	s5 =	simm.s32 $0x610;
	s4 =	simm.s32 $0x0  }
0x17: {  	[spmem:s2] =	stream.indirect_vreg.scatter.add.s32 [tilespmem:s3], [sflag:$0x1], $0x1, v0, vm0, $0x4038;
	[tilespmem:$0x1200] =	vst v63  }
.LBB2_1:
0x18: {  	v0 =	vld.msk [tilespmem:s5+$0x0 ss:$0x1], $0xffff;
	s4 =	sadd.s32 $0x10, s4  }
0x19: {  	p1 =	slt.u32 s4, $0x3F0;
	_ =	sdelay $0x4  }
0x1a: {  	v0 =	vmin.u32 v0, $0x2000  }
.Ltmp0:
0x1b: {  	(pc) =	sbr.rel @p1 .LBB2_1-.Ltmp0, $3  }
0x1c: {  	_ =	sdelay $0x1  }
0x1d: {  	s5 =	sadd.s32 $0x10, s5;
	s3 =	sadd.s32 $0x10, s3  }
0x1e: {  	[spmem:s2] =	stream.indirect_vreg.scatter.add.s32 [tilespmem:s3], [sflag:$0x1], $0x1, v0, vm0, $0x4038;
	[tilespmem:$0x1200] =	vst v63  }
0x1f: {  	s2 =	simm.s32 $0x1  }
0x20: {  	_ =	swait.ge [sflag:s2], $0x400  }
0x21: {  	[sflag:s2] =	ssyncset.done $0x0  }
0x22: {  	[sflag:s2] =	ssyncadd.s32 $0xFFFFFC00  }
0x23: {  	_ =	sfence.sel $0x180000  }
0x24: {  	s3 =	simm.s32 $0x2;
	[bflag:$0x0] =	sbarrier.arrive $0xFFFF  }
0x25: {  	[sflag:s3] =	ssyncpa.u1 $0x1  }
0x26: {  	[sflag:s2] =	ssyncpa.u1 $0x1  }
0x27: {  	_ =	sfence.stream.spmem  }
0x28: {  	s31 =	simm.s32 $0x3D;
	[bflag:$0x0] =	sbarrier.arrive $0xFFFF  }
0x29: {  	s2 =	simm.s32 @p0 $0x3D;
	[sflag:s31] =	ssyncpa.u1 $0x0  }
0x2a: {  	[sflag:s2] =	ssyncpa.u1 @p0 $0x1  }
0x2b: {  	[bflag:$0x0] =	sbarrier.arrive @p0 $0xFFFF  }
0x2c: {  	_ =	strace @p0 $0x90000047  }
0x2d: {  	s3 =	simm.s32 @!p0 $0x1C3D;
	s2 =	simm.s32 @!p0 $0x0;
	[bflag:$0x2] =	sbarrier.arrive @p0 $0xFFFF  }
0x2e: {  	[hbm:s1], [sflag:s3] =	dma.local @!p0 [spmem:s2], $0x400  }
0x2f: {  	s1 =	simm.s32 @!p0 $0x3D  }
0x30: {  	_ =	swait.ge @!p0 [sflag:s1], $0x400  }
0x31: {  	[sflag:s1] =	ssyncset.done @!p0 $0x0  }
0x32: {  	[sflag:s1] =	ssyncadd.s32 @!p0 $0xFFFFFC00  }
0x33: {  	[sflag:s1] =	ssyncpa.u1 @!p0 $0x1  }
0x34: {  	[bflag:$0x0] =	sbarrier.arrive @!p0 $0xFFFF  }
0x35: {  	_ =	strace @!p0 $0x90000047  }
0x36: {  	s0 =	sadd.s32 @!p0 $0x100000, s0;
	[bflag:$0x2] =	sbarrier.arrive @!p0 $0xFFFF  }
0x37: {  	[sflag:s0] =	ssyncadd.tile.s32 @!p0 $0x1;
	_ =	shalt  }
.Lfunc_end2:
_tile_overlayer_lowered:
.L_overlay_start_2:
0x38: {  	(tag) =	ssettag $0x2  }
0x39: {  	s0 =	rddreg [dreg:$0x0];
	s2 =	stileid.u32  }
0x3a: {  	s1 =	rddreg [dreg:$0x1];
	p0 =	sne.s32 s2, $0x0  }
0x3b: {  	s3 =	rddreg [dreg:$0x2];
	[bflag:$0x3] =	sbarrier.arrive $0xFFFF;
	s2 =	simm.s32 @!p0 $0x1C01  }
0x3c: {  	[timem:s3], [sflag:s2] =	dma.local @!p0 [hbm:s0], s1  }
0x3d: {  	s0 =	simm.s32 @!p0 $0x1  }
0x3e: {  	_ =	swait.ge @!p0 [sflag:s0], s1  }
0x3f: {  	s1 =	ssub.s32 @!p0 $0x0, s1;
	[sflag:s0] =	ssyncset.done @!p0 $0x0  }
0x40: {  	[sflag:s0] =	ssyncadd.s32 @!p0 s1  }
0x41: {  	[bflag:$0x3] =	sbarrier.arrive $0xFFFF  }
0x42: {  	_ =	shalt  }

</sc_bundles>
